<compile_context>
chip_gen: v7x
topology: tpu7x:2x2x1
jax: 0.10.2.dev20260603
libtpu: 0.0.44.dev20260713+nightly
codegen_flags: <defaults>
</compile_context>

<pallas_src>
import functools

import jax
import jax.numpy as jnp
from jax import lax
from jax.experimental import pallas as pl
from jax.experimental.pallas import tpu as pltpu
from jax.experimental.pallas import tpu_sc as plsc

_D = 64
_B = 4096
_S = 200
_NC = 2
_NS = 16
_NW = _NC * _NS
_ROWS_W = _B // _NW
_CR = 4
_SPLITS = ((0, 104), (104, 96))
_NCHUNK = _ROWS_W // _CR
_NBUF = 2


def _gather_body(x_hbm, table_hbm, out_hbm, idx_v, rows_v, gsem, ssem):
    cid = lax.axis_index("c")
    sid = lax.axis_index("s")
    wid = sid * _NC + cid
    row0 = wid * _ROWS_W

    def fire(chunk, b):
        r = row0 + chunk * _CR
        pltpu.sync_copy(x_hbm.at[pl.ds(r, _CR)], idx_v.at[b])
        for rr in range(_CR):
            for s0, w in _SPLITS:
                pltpu.async_copy(
                    table_hbm.at[idx_v.at[b, rr, pl.ds(s0, w)]],
                    rows_v.at[b, rr, pl.ds(s0, w)],
                    gsem.at[b],
                )

    def drain_and_store(chunk, b):
        for rr in range(_CR):
            for s0, w in _SPLITS:
                pltpu.make_async_copy(
                    table_hbm.at[idx_v.at[b, rr, pl.ds(s0, w)]],
                    rows_v.at[b, rr, pl.ds(s0, w)],
                    gsem.at[b],
                ).wait()
        r = row0 + chunk * _CR
        pltpu.async_copy(
            rows_v.at[b],
            out_hbm.at[pl.ds(r, _CR), :, pl.ds(0, _D)],
            ssem.at[b],
        )

    def wait_store(b):
        pltpu.make_async_copy(
            rows_v.at[b],
            out_hbm.at[pl.ds(row0, _CR), :, pl.ds(0, _D)],
            ssem.at[b],
        ).wait()

    for b in range(_NBUF):
        fire(b, b)

    def round_body(i, carry):
        g0 = i * _NBUF
        for b in range(_NBUF):
            drain_and_store(g0 + b, b)
            nxt = g0 + b + _NBUF
            @pl.when(nxt < _NCHUNK)
            def _():
                wait_store(b)
                fire(nxt, b)
        return carry

    lax.fori_loop(0, _NCHUNK // _NBUF, round_body, 0)
    for b in range(_NBUF):
        wait_store(b)


@jax.jit
def kernel(x, table):
    xi = x if x.dtype == jnp.int32 else x.astype(jnp.int32)
    mesh = plsc.VectorSubcoreMesh(
        core_axis_name="c", subcore_axis_name="s", num_cores=_NC
    )
    gather = functools.partial(
        pl.kernel,
        mesh=mesh,
        out_type=jax.ShapeDtypeStruct((_B, _S, 2 * _D), jnp.float32),
        scratch_types=[
            pltpu.VMEM((_NBUF, _CR, _S), jnp.int32),
            pltpu.VMEM((_NBUF, _CR, _S, _D), jnp.float32),
            pltpu.SemaphoreType.DMA((_NBUF,)),
            pltpu.SemaphoreType.DMA((_NBUF,)),
        ],
        compiler_params=pltpu.CompilerParams(use_tc_tiling_on_sc=False),
    )(_gather_body)
    return gather(xi, table)[:, :, :_D]

# --- scband reference (transcript-rebuilt; emitter-appended) ---
"""Pipeline reference for scband-base-classifier-27539330302395 (READ-ONLY COPY).

The authoritative reference and input builder live on the scoring server;
editing this copy changes nothing except your own understanding.
"""

import jax, jax.numpy as jnp
import numpy as np

VOCAB_SIZE = 1000000
EMBED_DIM = 64
PADDING_IDX = 0
BATCH = 4096
SEQ_LEN = 200

def setup_inputs(seed: int = 0) -> dict:
    key = jax.random.key(seed)
    k_idx, k_tbl = jax.random.split(key)
    x = jax.random.randint(k_idx, (BATCH, SEQ_LEN), 0, VOCAB_SIZE, dtype=jnp.int64 if jax.config.jax_enable_x64 else jnp.int32)
    table = jax.random.normal(k_tbl, (VOCAB_SIZE, EMBED_DIM), dtype=jnp.float32)
    # padding_idx row initialized to zeros, matching nn.Embedding(padding_idx=0)
    table = table.at[PADDING_IDX].set(0.0)
    return {"x": x, "table": table}

def reference(x, table):
    # nn.Embedding forward: gather rows of the table by token id.
    # padding_idx semantics: that row is held at zero.
    tbl = table.at[PADDING_IDX].set(0.0)
    out = jnp.take(tbl, x, axis=0)  # (BATCH, SEQ_LEN, EMBED_DIM)
    return out

if __name__ == "__main__":
    import jax
    _d = setup_inputs()
    print(jax.jit(kernel)(*tuple(_d.values())))

</pallas_src>

<mosaic_0001>
#map = affine_map<(d0, d1) -> (0, 0)>
#map1 = affine_map<(d0, d1) -> (0, 0, 0)>
module attributes {stable_mosaic.version = 14 : i64} {
  func.func @_gather_body(%arg0: i32, %arg1: i32, %arg2: memref<4096x200xi32, #tpu.memory_space<hbm>>, %arg3: memref<1000000x64xf32, #tpu.memory_space<hbm>>, %arg4: memref<4096x200x128xf32, #tpu.memory_space<hbm>>, %arg5: memref<2x4x200xi32, #tpu.memory_space<vmem>>, %arg6: memref<2x4x200x64xf32, #tpu.memory_space<vmem>>, %arg7: memref<2x!tpu.dma_semaphore, #tpu.memory_space<semaphore_mem>>, %arg8: memref<2x!tpu.dma_semaphore, #tpu.memory_space<semaphore_mem>>) attributes {dimension_semantics = [#tpu.dimension_semantics<core_parallel>, #tpu.dimension_semantics<subcore_parallel>], iteration_bounds = array<i64: 2, 16>, scalar_prefetch = 0 : i64, scratch_operands = 4 : i64, tpu.core_type = #tpu.core_type<sc_vector_subcore>, window_params = [{transform_indices = #map}, {transform_indices = #map}, {transform_indices = #map1}]} {
    %mul3A = arith.constant 2 : i32
    %mul3A_0 = arith.muli %arg1, %mul3A : i32
    %add3A = arith.addi %mul3A_0, %arg0 : i32
    %mul3A_1 = arith.constant 128 : i32
    %mul3A_2 = arith.muli %add3A, %mul3A_1 : i32
    %add3A_3 = arith.constant 0 : i32
    %add3A_4 = arith.addi %mul3A_2, %add3A_3 : i32
    %run_scoped3A = arith.constant 0 : i32
    "tpu.region"() ({
      %run_scoped3A_323 = tpu.sem_alloc : memref<!tpu.dma_semaphore, #tpu.memory_space<semaphore_mem>>
      %dma_start3A_324 = arith.constant 0 : i32
      %dma_start3A_325 = arith.constant 0 : i32
      %dma_start3A_326 = tpu.memref_slice %arg5[%run_scoped3A, %dma_start3A_324, %dma_start3A_325] : memref<2x4x200xi32, #tpu.memory_space<vmem>> -> memref<1x4x200xi32, #tpu.memory_space<vmem>>
      %dma_start3A_327 = tpu.memref_squeeze %dma_start3A_326 : memref<1x4x200xi32, #tpu.memory_space<vmem>> -> memref<4x200xi32, #tpu.memory_space<vmem>>
      %dma_start3A_328 = arith.constant 0 : i32
      %dma_start3A_329 = tpu.memref_slice %arg2[%add3A_4, %dma_start3A_328] : memref<4096x200xi32, #tpu.memory_space<hbm>> -> memref<4x200xi32, #tpu.memory_space<hbm>>
      %dma_start3A_330 = arith.constant 0 : i32
      %dma_start3A_331 = arith.constant 0 : i32
      %dma_start3A_332 = tpu.memref_slice %arg5[%run_scoped3A, %dma_start3A_330, %dma_start3A_331] : memref<2x4x200xi32, #tpu.memory_space<vmem>> -> memref<1x4x200xi32, #tpu.memory_space<vmem>>
      %dma_start3A_333 = tpu.memref_squeeze %dma_start3A_332 : memref<1x4x200xi32, #tpu.memory_space<vmem>> -> memref<4x200xi32, #tpu.memory_space<vmem>>
      %dma_start3A_334 = arith.constant 0 : i32
      %dma_start3A_335 = tpu.memref_slice %arg2[%add3A_4, %dma_start3A_334] : memref<4096x200xi32, #tpu.memory_space<hbm>> -> memref<4x200xi32, #tpu.memory_space<hbm>>
      tpu.enqueue_dma source(%dma_start3A_335 : memref<4x200xi32, #tpu.memory_space<hbm>>) target(%dma_start3A_333 : memref<4x200xi32, #tpu.memory_space<vmem>>) target_semaphore(%run_scoped3A_323 : memref<!tpu.dma_semaphore, #tpu.memory_space<semaphore_mem>>)
      %dma_wait3A_336 = arith.constant 0 : i32
      %dma_wait3A_337 = arith.constant 0 : i32
      %dma_wait3A_338 = tpu.memref_slice %arg5[%run_scoped3A, %dma_wait3A_336, %dma_wait3A_337] : memref<2x4x200xi32, #tpu.memory_space<vmem>> -> memref<1x4x200xi32, #tpu.memory_space<vmem>>
      %dma_wait3A_339 = tpu.memref_squeeze %dma_wait3A_338 : memref<1x4x200xi32, #tpu.memory_space<vmem>> -> memref<4x200xi32, #tpu.memory_space<vmem>>
      %dma_wait3A_340 = arith.constant 0 : i32
      %dma_wait3A_341 = tpu.memref_slice %arg2[%add3A_4, %dma_wait3A_340] : memref<4096x200xi32, #tpu.memory_space<hbm>> -> memref<4x200xi32, #tpu.memory_space<hbm>>
      %dma_wait3A_342 = arith.constant 0 : i32
      %dma_wait3A_343 = arith.constant 0 : i32
      %dma_wait3A_344 = tpu.memref_slice %arg5[%run_scoped3A, %dma_wait3A_342, %dma_wait3A_343] : memref<2x4x200xi32, #tpu.memory_space<vmem>> -> memref<1x4x200xi32, #tpu.memory_space<vmem>>
      %dma_wait3A_345 = tpu.memref_squeeze %dma_wait3A_344 : memref<1x4x200xi32, #tpu.memory_space<vmem>> -> memref<4x200xi32, #tpu.memory_space<vmem>>
      %dma_wait3A_346 = arith.constant 0 : i32
      %dma_wait3A_347 = tpu.memref_slice %arg2[%add3A_4, %dma_wait3A_346] : memref<4096x200xi32, #tpu.memory_space<hbm>> -> memref<4x200xi32, #tpu.memory_space<hbm>>
      tpu.wait_dma2 semaphore(%run_scoped3A_323 : memref<!tpu.dma_semaphore, #tpu.memory_space<semaphore_mem>>) src(%dma_wait3A_347 : memref<4x200xi32, #tpu.memory_space<hbm>>) dst(%dma_wait3A_345 : memref<4x200xi32, #tpu.memory_space<vmem>>)
      tpu.yield
    }) : () -> ()
    %dma_start3A = arith.constant 0 : i32
    %dma_start3A_5 = arith.constant 0 : i32
    %dma_start3A_6 = arith.constant 0 : i32
    %dma_start3A_7 = arith.constant 0 : i32
    %dma_start3A_8 = arith.constant 0 : i32
    %dma_start3A_9 = arith.constant 0 : i32
    %dma_start3A_10 = arith.constant 0 : i32
    %dma_start3A_11 = tpu.memref_slice %arg6[%dma_start3A_6, %dma_start3A_7, %dma_start3A_9, %dma_start3A_10] : memref<2x4x200x64xf32, #tpu.memory_space<vmem>> -> memref<1x1x104x64xf32, #tpu.memory_space<vmem>>
    %dma_start3A_12 = tpu.memref_squeeze %dma_start3A_11 : memref<1x1x104x64xf32, #tpu.memory_space<vmem>> -> memref<104x64xf32, #tpu.memory_space<vmem>>
    %dma_start3A_13 = arith.constant 0 : i32
    %dma_start3A_14 = tpu.memref_slice %arg5[%dma_start3A, %dma_start3A_5, %dma_start3A_13] : memref<2x4x200xi32, #tpu.memory_space<vmem>> -> memref<1x1x104xi32, #tpu.memory_space<vmem>>
    %dma_start3A_15 = tpu.memref_squeeze %dma_start3A_14 : memref<1x1x104xi32, #tpu.memory_space<vmem>> -> memref<104xi32, #tpu.memory_space<vmem>>
    %dma_start3A_16 = arith.constant 0 : i32
    %dma_start3A_17 = arith.constant 0 : i32
    %dma_start3A_18 = tpu.memref_slice %arg3[%dma_start3A_16, %dma_start3A_17] : memref<1000000x64xf32, #tpu.memory_space<hbm>> -> memref<1000000x64xf32, #tpu.memory_space<hbm>>
    %dma_start3A_19 = tpu.memref_slice %arg7[%dma_start3A_8] : memref<2x!tpu.dma_semaphore, #tpu.memory_space<semaphore_mem>> -> memref<1x!tpu.dma_semaphore, #tpu.memory_space<semaphore_mem>>
    %dma_start3A_20 = tpu.memref_squeeze %dma_start3A_19 : memref<1x!tpu.dma_semaphore, #tpu.memory_space<semaphore_mem>> -> memref<!tpu.dma_semaphore, #tpu.memory_space<semaphore_mem>>
    tpu.enqueue_indirect_dma source(%dma_start3A_18 : memref<1000000x64xf32, #tpu.memory_space<hbm>>) target(%dma_start3A_12 : memref<104x64xf32, #tpu.memory_space<vmem>>) offsets(%dma_start3A_15 : memref<104xi32, #tpu.memory_space<vmem>>) semaphore(%dma_start3A_20 : memref<!tpu.dma_semaphore, #tpu.memory_space<semaphore_mem>>)
    %dma_start3A_21 = arith.constant 0 : i32
    %dma_start3A_22 = arith.constant 0 : i32
    %dma_start3A_23 = arith.constant 0 : i32
    %dma_start3A_24 = arith.constant 0 : i32
    %dma_start3A_25 = arith.constant 0 : i32
    %dma_start3A_26 = arith.constant 104 : i32
    %dma_start3A_27 = arith.constant 0 : i32
    %dma_start3A_28 = tpu.memref_slice %arg6[%dma_start3A_23, %dma_start3A_24, %dma_start3A_26, %dma_start3A_27] : memref<2x4x200x64xf32, #tpu.memory_space<vmem>> -> memref<1x1x96x64xf32, #tpu.memory_space<vmem>>
    %dma_start3A_29 = tpu.memref_squeeze %dma_start3A_28 : memref<1x1x96x64xf32, #tpu.memory_space<vmem>> -> memref<96x64xf32, #tpu.memory_space<vmem>>
    %dma_start3A_30 = arith.constant 104 : i32
    %dma_start3A_31 = tpu.memref_slice %arg5[%dma_start3A_21, %dma_start3A_22, %dma_start3A_30] : memref<2x4x200xi32, #tpu.memory_space<vmem>> -> memref<1x1x96xi32, #tpu.memory_space<vmem>>
    %dma_start3A_32 = tpu.memref_squeeze %dma_start3A_31 : memref<1x1x96xi32, #tpu.memory_space<vmem>> -> memref<96xi32, #tpu.memory_space<vmem>>
    %dma_start3A_33 = arith.constant 0 : i32
    %dma_start3A_34 = arith.constant 0 : i32
    %dma_start3A_35 = tpu.memref_slice %arg3[%dma_start3A_33, %dma_start3A_34] : memref<1000000x64xf32, #tpu.memory_space<hbm>> -> memref<1000000x64xf32, #tpu.memory_space<hbm>>
    %dma_start3A_36 = tpu.memref_slice %arg7[%dma_start3A_25] : memref<2x!tpu.dma_semaphore, #tpu.memory_space<semaphore_mem>> -> memref<1x!tpu.dma_semaphore, #tpu.memory_space<semaphore_mem>>
    %dma_start3A_37 = tpu.memref_squeeze %dma_start3A_36 : memref<1x!tpu.dma_semaphore, #tpu.memory_space<semaphore_mem>> -> memref<!tpu.dma_semaphore, #tpu.memory_space<semaphore_mem>>
    tpu.enqueue_indirect_dma source(%dma_start3A_35 : memref<1000000x64xf32, #tpu.memory_space<hbm>>) target(%dma_start3A_29 : memref<96x64xf32, #tpu.memory_space<vmem>>) offsets(%dma_start3A_32 : memref<96xi32, #tpu.memory_space<vmem>>) semaphore(%dma_start3A_37 : memref<!tpu.dma_semaphore, #tpu.memory_space<semaphore_mem>>)
    %dma_start3A_38 = arith.constant 0 : i32
    %dma_start3A_39 = arith.constant 1 : i32
    %dma_start3A_40 = arith.constant 0 : i32
    %dma_start3A_41 = arith.constant 1 : i32
    %dma_start3A_42 = arith.constant 0 : i32
    %dma_start3A_43 = arith.constant 0 : i32
    %dma_start3A_44 = arith.constant 0 : i32
    %dma_start3A_45 = tpu.memref_slice %arg6[%dma_start3A_40, %dma_start3A_41, %dma_start3A_43, %dma_start3A_44] : memref<2x4x200x64xf32, #tpu.memory_space<vmem>> -> memref<1x1x104x64xf32, #tpu.memory_space<vmem>>
    %dma_start3A_46 = tpu.memref_squeeze %dma_start3A_45 : memref<1x1x104x64xf32, #tpu.memory_space<vmem>> -> memref<104x64xf32, #tpu.memory_space<vmem>>
    %dma_start3A_47 = arith.constant 0 : i32
    %dma_start3A_48 = tpu.memref_slice %arg5[%dma_start3A_38, %dma_start3A_39, %dma_start3A_47] : memref<2x4x200xi32, #tpu.memory_space<vmem>> -> memref<1x1x104xi32, #tpu.memory_space<vmem>>
    %dma_start3A_49 = tpu.memref_squeeze %dma_start3A_48 : memref<1x1x104xi32, #tpu.memory_space<vmem>> -> memref<104xi32, #tpu.memory_space<vmem>>
    %dma_start3A_50 = arith.constant 0 : i32
    %dma_start3A_51 = arith.constant 0 : i32
    %dma_start3A_52 = tpu.memref_slice %arg3[%dma_start3A_50, %dma_start3A_51] : memref<1000000x64xf32, #tpu.memory_space<hbm>> -> memref<1000000x64xf32, #tpu.memory_space<hbm>>
    %dma_start3A_53 = tpu.memref_slice %arg7[%dma_start3A_42] : memref<2x!tpu.dma_semaphore, #tpu.memory_space<semaphore_mem>> -> memref<1x!tpu.dma_semaphore, #tpu.memory_space<semaphore_mem>>
    %dma_start3A_54 = tpu.memref_squeeze %dma_start3A_53 : memref<1x!tpu.dma_semaphore, #tpu.memory_space<semaphore_mem>> -> memref<!tpu.dma_semaphore, #tpu.memory_space<semaphore_mem>>
    tpu.enqueue_indirect_dma source(%dma_start3A_52 : memref<1000000x64xf32, #tpu.memory_space<hbm>>) target(%dma_start3A_46 : memref<104x64xf32, #tpu.memory_space<vmem>>) offsets(%dma_start3A_49 : memref<104xi32, #tpu.memory_space<vmem>>) semaphore(%dma_start3A_54 : memref<!tpu.dma_semaphore, #tpu.memory_space<semaphore_mem>>)
    %dma_start3A_55 = arith.constant 0 : i32
    %dma_start3A_56 = arith.constant 1 : i32
    %dma_start3A_57 = arith.constant 0 : i32
    %dma_start3A_58 = arith.constant 1 : i32
    %dma_start3A_59 = arith.constant 0 : i32
    %dma_start3A_60 = arith.constant 104 : i32
    %dma_start3A_61 = arith.constant 0 : i32
    %dma_start3A_62 = tpu.memref_slice %arg6[%dma_start3A_57, %dma_start3A_58, %dma_start3A_60, %dma_start3A_61] : memref<2x4x200x64xf32, #tpu.memory_space<vmem>> -> memref<1x1x96x64xf32, #tpu.memory_space<vmem>>
    %dma_start3A_63 = tpu.memref_squeeze %dma_start3A_62 : memref<1x1x96x64xf32, #tpu.memory_space<vmem>> -> memref<96x64xf32, #tpu.memory_space<vmem>>
    %dma_start3A_64 = arith.constant 104 : i32
    %dma_start3A_65 = tpu.memref_slice %arg5[%dma_start3A_55, %dma_start3A_56, %dma_start3A_64] : memref<2x4x200xi32, #tpu.memory_space<vmem>> -> memref<1x1x96xi32, #tpu.memory_space<vmem>>
    %dma_start3A_66 = tpu.memref_squeeze %dma_start3A_65 : memref<1x1x96xi32, #tpu.memory_space<vmem>> -> memref<96xi32, #tpu.memory_space<vmem>>
    %dma_start3A_67 = arith.constant 0 : i32
    %dma_start3A_68 = arith.constant 0 : i32
    %dma_start3A_69 = tpu.memref_slice %arg3[%dma_start3A_67, %dma_start3A_68] : memref<1000000x64xf32, #tpu.memory_space<hbm>> -> memref<1000000x64xf32, #tpu.memory_space<hbm>>
    %dma_start3A_70 = tpu.memref_slice %arg7[%dma_start3A_59] : memref<2x!tpu.dma_semaphore, #tpu.memory_space<semaphore_mem>> -> memref<1x!tpu.dma_semaphore, #tpu.memory_space<semaphore_mem>>
    %dma_start3A_71 = tpu.memref_squeeze %dma_start3A_70 : memref<1x!tpu.dma_semaphore, #tpu.memory_space<semaphore_mem>> -> memref<!tpu.dma_semaphore, #tpu.memory_space<semaphore_mem>>
    tpu.enqueue_indirect_dma source(%dma_start3A_69 : memref<1000000x64xf32, #tpu.memory_space<hbm>>) target(%dma_start3A_63 : memref<96x64xf32, #tpu.memory_space<vmem>>) offsets(%dma_start3A_66 : memref<96xi32, #tpu.memory_space<vmem>>) semaphore(%dma_start3A_71 : memref<!tpu.dma_semaphore, #tpu.memory_space<semaphore_mem>>)
    %dma_start3A_72 = arith.constant 0 : i32
    %dma_start3A_73 = arith.constant 2 : i32
    %dma_start3A_74 = arith.constant 0 : i32
    %dma_start3A_75 = arith.constant 2 : i32
    %dma_start3A_76 = arith.constant 0 : i32
    %dma_start3A_77 = arith.constant 0 : i32
    %dma_start3A_78 = arith.constant 0 : i32
    %dma_start3A_79 = tpu.memref_slice %arg6[%dma_start3A_74, %dma_start3A_75, %dma_start3A_77, %dma_start3A_78] : memref<2x4x200x64xf32, #tpu.memory_space<vmem>> -> memref<1x1x104x64xf32, #tpu.memory_space<vmem>>
    %dma_start3A_80 = tpu.memref_squeeze %dma_start3A_79 : memref<1x1x104x64xf32, #tpu.memory_space<vmem>> -> memref<104x64xf32, #tpu.memory_space<vmem>>
    %dma_start3A_81 = arith.constant 0 : i32
    %dma_start3A_82 = tpu.memref_slice %arg5[%dma_start3A_72, %dma_start3A_73, %dma_start3A_81] : memref<2x4x200xi32, #tpu.memory_space<vmem>> -> memref<1x1x104xi32, #tpu.memory_space<vmem>>
    %dma_start3A_83 = tpu.memref_squeeze %dma_start3A_82 : memref<1x1x104xi32, #tpu.memory_space<vmem>> -> memref<104xi32, #tpu.memory_space<vmem>>
    %dma_start3A_84 = arith.constant 0 : i32
    %dma_start3A_85 = arith.constant 0 : i32
    %dma_start3A_86 = tpu.memref_slice %arg3[%dma_start3A_84, %dma_start3A_85] : memref<1000000x64xf32, #tpu.memory_space<hbm>> -> memref<1000000x64xf32, #tpu.memory_space<hbm>>
    %dma_start3A_87 = tpu.memref_slice %arg7[%dma_start3A_76] : memref<2x!tpu.dma_semaphore, #tpu.memory_space<semaphore_mem>> -> memref<1x!tpu.dma_semaphore, #tpu.memory_space<semaphore_mem>>
    %dma_start3A_88 = tpu.memref_squeeze %dma_start3A_87 : memref<1x!tpu.dma_semaphore, #tpu.memory_space<semaphore_mem>> -> memref<!tpu.dma_semaphore, #tpu.memory_space<semaphore_mem>>
    tpu.enqueue_indirect_dma source(%dma_start3A_86 : memref<1000000x64xf32, #tpu.memory_space<hbm>>) target(%dma_start3A_80 : memref<104x64xf32, #tpu.memory_space<vmem>>) offsets(%dma_start3A_83 : memref<104xi32, #tpu.memory_space<vmem>>) semaphore(%dma_start3A_88 : memref<!tpu.dma_semaphore, #tpu.memory_space<semaphore_mem>>)
    %dma_start3A_89 = arith.constant 0 : i32
    %dma_start3A_90 = arith.constant 2 : i32
    %dma_start3A_91 = arith.constant 0 : i32
    %dma_start3A_92 = arith.constant 2 : i32
    %dma_start3A_93 = arith.constant 0 : i32
    %dma_start3A_94 = arith.constant 104 : i32
    %dma_start3A_95 = arith.constant 0 : i32
    %dma_start3A_96 = tpu.memref_slice %arg6[%dma_start3A_91, %dma_start3A_92, %dma_start3A_94, %dma_start3A_95] : memref<2x4x200x64xf32, #tpu.memory_space<vmem>> -> memref<1x1x96x64xf32, #tpu.memory_space<vmem>>
    %dma_start3A_97 = tpu.memref_squeeze %dma_start3A_96 : memref<1x1x96x64xf32, #tpu.memory_space<vmem>> -> memref<96x64xf32, #tpu.memory_space<vmem>>
    %dma_start3A_98 = arith.constant 104 : i32
    %dma_start3A_99 = tpu.memref_slice %arg5[%dma_start3A_89, %dma_start3A_90, %dma_start3A_98] : memref<2x4x200xi32, #tpu.memory_space<vmem>> -> memref<1x1x96xi32, #tpu.memory_space<vmem>>
    %dma_start3A_100 = tpu.memref_squeeze %dma_start3A_99 : memref<1x1x96xi32, #tpu.memory_space<vmem>> -> memref<96xi32, #tpu.memory_space<vmem>>
    %dma_start3A_101 = arith.constant 0 : i32
    %dma_start3A_102 = arith.constant 0 : i32
    %dma_start3A_103 = tpu.memref_slice %arg3[%dma_start3A_101, %dma_start3A_102] : memref<1000000x64xf32, #tpu.memory_space<hbm>> -> memref<1000000x64xf32, #tpu.memory_space<hbm>>
    %dma_start3A_104 = tpu.memref_slice %arg7[%dma_start3A_93] : memref<2x!tpu.dma_semaphore, #tpu.memory_space<semaphore_mem>> -> memref<1x!tpu.dma_semaphore, #tpu.memory_space<semaphore_mem>>
    %dma_start3A_105 = tpu.memref_squeeze %dma_start3A_104 : memref<1x!tpu.dma_semaphore, #tpu.memory_space<semaphore_mem>> -> memref<!tpu.dma_semaphore, #tpu.memory_space<semaphore_mem>>
    tpu.enqueue_indirect_dma source(%dma_start3A_103 : memref<1000000x64xf32, #tpu.memory_space<hbm>>) target(%dma_start3A_97 : memref<96x64xf32, #tpu.memory_space<vmem>>) offsets(%dma_start3A_100 : memref<96xi32, #tpu.memory_space<vmem>>) semaphore(%dma_start3A_105 : memref<!tpu.dma_semaphore, #tpu.memory_space<semaphore_mem>>)
    %dma_start3A_106 = arith.constant 0 : i32
    %dma_start3A_107 = arith.constant 3 : i32
    %dma_start3A_108 = arith.constant 0 : i32
    %dma_start3A_109 = arith.constant 3 : i32
    %dma_start3A_110 = arith.constant 0 : i32
    %dma_start3A_111 = arith.constant 0 : i32
    %dma_start3A_112 = arith.constant 0 : i32
    %dma_start3A_113 = tpu.memref_slice %arg6[%dma_start3A_108, %dma_start3A_109, %dma_start3A_111, %dma_start3A_112] : memref<2x4x200x64xf32, #tpu.memory_space<vmem>> -> memref<1x1x104x64xf32, #tpu.memory_space<vmem>>
    %dma_start3A_114 = tpu.memref_squeeze %dma_start3A_113 : memref<1x1x104x64xf32, #tpu.memory_space<vmem>> -> memref<104x64xf32, #tpu.memory_space<vmem>>
    %dma_start3A_115 = arith.constant 0 : i32
    %dma_start3A_116 = tpu.memref_slice %arg5[%dma_start3A_106, %dma_start3A_107, %dma_start3A_115] : memref<2x4x200xi32, #tpu.memory_space<vmem>> -> memref<1x1x104xi32, #tpu.memory_space<vmem>>
    %dma_start3A_117 = tpu.memref_squeeze %dma_start3A_116 : memref<1x1x104xi32, #tpu.memory_space<vmem>> -> memref<104xi32, #tpu.memory_space<vmem>>
    %dma_start3A_118 = arith.constant 0 : i32
    %dma_start3A_119 = arith.constant 0 : i32
    %dma_start3A_120 = tpu.memref_slice %arg3[%dma_start3A_118, %dma_start3A_119] : memref<1000000x64xf32, #tpu.memory_space<hbm>> -> memref<1000000x64xf32, #tpu.memory_space<hbm>>
    %dma_start3A_121 = tpu.memref_slice %arg7[%dma_start3A_110] : memref<2x!tpu.dma_semaphore, #tpu.memory_space<semaphore_mem>> -> memref<1x!tpu.dma_semaphore, #tpu.memory_space<semaphore_mem>>
    %dma_start3A_122 = tpu.memref_squeeze %dma_start3A_121 : memref<1x!tpu.dma_semaphore, #tpu.memory_space<semaphore_mem>> -> memref<!tpu.dma_semaphore, #tpu.memory_space<semaphore_mem>>
    tpu.enqueue_indirect_dma source(%dma_start3A_120 : memref<1000000x64xf32, #tpu.memory_space<hbm>>) target(%dma_start3A_114 : memref<104x64xf32, #tpu.memory_space<vmem>>) offsets(%dma_start3A_117 : memref<104xi32, #tpu.memory_space<vmem>>) semaphore(%dma_start3A_122 : memref<!tpu.dma_semaphore, #tpu.memory_space<semaphore_mem>>)
    %dma_start3A_123 = arith.constant 0 : i32
    %dma_start3A_124 = arith.constant 3 : i32
    %dma_start3A_125 = arith.constant 0 : i32
    %dma_start3A_126 = arith.constant 3 : i32
    %dma_start3A_127 = arith.constant 0 : i32
    %dma_start3A_128 = arith.constant 104 : i32
    %dma_start3A_129 = arith.constant 0 : i32
    %dma_start3A_130 = tpu.memref_slice %arg6[%dma_start3A_125, %dma_start3A_126, %dma_start3A_128, %dma_start3A_129] : memref<2x4x200x64xf32, #tpu.memory_space<vmem>> -> memref<1x1x96x64xf32, #tpu.memory_space<vmem>>
    %dma_start3A_131 = tpu.memref_squeeze %dma_start3A_130 : memref<1x1x96x64xf32, #tpu.memory_space<vmem>> -> memref<96x64xf32, #tpu.memory_space<vmem>>
    %dma_start3A_132 = arith.constant 104 : i32
    %dma_start3A_133 = tpu.memref_slice %arg5[%dma_start3A_123, %dma_start3A_124, %dma_start3A_132] : memref<2x4x200xi32, #tpu.memory_space<vmem>> -> memref<1x1x96xi32, #tpu.memory_space<vmem>>
    %dma_start3A_134 = tpu.memref_squeeze %dma_start3A_133 : memref<1x1x96xi32, #tpu.memory_space<vmem>> -> memref<96xi32, #tpu.memory_space<vmem>>
    %dma_start3A_135 = arith.constant 0 : i32
    %dma_start3A_136 = arith.constant 0 : i32
    %dma_start3A_137 = tpu.memref_slice %arg3[%dma_start3A_135, %dma_start3A_136] : memref<1000000x64xf32, #tpu.memory_space<hbm>> -> memref<1000000x64xf32, #tpu.memory_space<hbm>>
    %dma_start3A_138 = tpu.memref_slice %arg7[%dma_start3A_127] : memref<2x!tpu.dma_semaphore, #tpu.memory_space<semaphore_mem>> -> memref<1x!tpu.dma_semaphore, #tpu.memory_space<semaphore_mem>>
    %dma_start3A_139 = tpu.memref_squeeze %dma_start3A_138 : memref<1x!tpu.dma_semaphore, #tpu.memory_space<semaphore_mem>> -> memref<!tpu.dma_semaphore, #tpu.memory_space<semaphore_mem>>
    tpu.enqueue_indirect_dma source(%dma_start3A_137 : memref<1000000x64xf32, #tpu.memory_space<hbm>>) target(%dma_start3A_131 : memref<96x64xf32, #tpu.memory_space<vmem>>) offsets(%dma_start3A_134 : memref<96xi32, #tpu.memory_space<vmem>>) semaphore(%dma_start3A_139 : memref<!tpu.dma_semaphore, #tpu.memory_space<semaphore_mem>>)
    %add3A_140 = arith.constant 4 : i32
    %add3A_141 = arith.addi %mul3A_2, %add3A_140 : i32
    %run_scoped3A_142 = arith.constant 1 : i32
    "tpu.region"() ({
      %run_scoped3A_323 = tpu.sem_alloc : memref<!tpu.dma_semaphore, #tpu.memory_space<semaphore_mem>>
      %dma_start3A_324 = arith.constant 0 : i32
      %dma_start3A_325 = arith.constant 0 : i32
      %dma_start3A_326 = tpu.memref_slice %arg5[%run_scoped3A_142, %dma_start3A_324, %dma_start3A_325] : memref<2x4x200xi32, #tpu.memory_space<vmem>> -> memref<1x4x200xi32, #tpu.memory_space<vmem>>
      %dma_start3A_327 = tpu.memref_squeeze %dma_start3A_326 : memref<1x4x200xi32, #tpu.memory_space<vmem>> -> memref<4x200xi32, #tpu.memory_space<vmem>>
      %dma_start3A_328 = arith.constant 0 : i32
      %dma_start3A_329 = tpu.memref_slice %arg2[%add3A_141, %dma_start3A_328] : memref<4096x200xi32, #tpu.memory_space<hbm>> -> memref<4x200xi32, #tpu.memory_space<hbm>>
      %dma_start3A_330 = arith.constant 0 : i32
      %dma_start3A_331 = arith.constant 0 : i32
      %dma_start3A_332 = tpu.memref_slice %arg5[%run_scoped3A_142, %dma_start3A_330, %dma_start3A_331] : memref<2x4x200xi32, #tpu.memory_space<vmem>> -> memref<1x4x200xi32, #tpu.memory_space<vmem>>
      %dma_start3A_333 = tpu.memref_squeeze %dma_start3A_332 : memref<1x4x200xi32, #tpu.memory_space<vmem>> -> memref<4x200xi32, #tpu.memory_space<vmem>>
      %dma_start3A_334 = arith.constant 0 : i32
      %dma_start3A_335 = tpu.memref_slice %arg2[%add3A_141, %dma_start3A_334] : memref<4096x200xi32, #tpu.memory_space<hbm>> -> memref<4x200xi32, #tpu.memory_space<hbm>>
      tpu.enqueue_dma source(%dma_start3A_335 : memref<4x200xi32, #tpu.memory_space<hbm>>) target(%dma_start3A_333 : memref<4x200xi32, #tpu.memory_space<vmem>>) target_semaphore(%run_scoped3A_323 : memref<!tpu.dma_semaphore, #tpu.memory_space<semaphore_mem>>)
      %dma_wait3A_336 = arith.constant 0 : i32
      %dma_wait3A_337 = arith.constant 0 : i32
      %dma_wait3A_338 = tpu.memref_slice %arg5[%run_scoped3A_142, %dma_wait3A_336, %dma_wait3A_337] : memref<2x4x200xi32, #tpu.memory_space<vmem>> -> memref<1x4x200xi32, #tpu.memory_space<vmem>>
      %dma_wait3A_339 = tpu.memref_squeeze %dma_wait3A_338 : memref<1x4x200xi32, #tpu.memory_space<vmem>> -> memref<4x200xi32, #tpu.memory_space<vmem>>
      %dma_wait3A_340 = arith.constant 0 : i32
      %dma_wait3A_341 = tpu.memref_slice %arg2[%add3A_141, %dma_wait3A_340] : memref<4096x200xi32, #tpu.memory_space<hbm>> -> memref<4x200xi32, #tpu.memory_space<hbm>>
      %dma_wait3A_342 = arith.constant 0 : i32
      %dma_wait3A_343 = arith.constant 0 : i32
      %dma_wait3A_344 = tpu.memref_slice %arg5[%run_scoped3A_142, %dma_wait3A_342, %dma_wait3A_343] : memref<2x4x200xi32, #tpu.memory_space<vmem>> -> memref<1x4x200xi32, #tpu.memory_space<vmem>>
      %dma_wait3A_345 = tpu.memref_squeeze %dma_wait3A_344 : memref<1x4x200xi32, #tpu.memory_space<vmem>> -> memref<4x200xi32, #tpu.memory_space<vmem>>
      %dma_wait3A_346 = arith.constant 0 : i32
      %dma_wait3A_347 = tpu.memref_slice %arg2[%add3A_141, %dma_wait3A_346] : memref<4096x200xi32, #tpu.memory_space<hbm>> -> memref<4x200xi32, #tpu.memory_space<hbm>>
      tpu.wait_dma2 semaphore(%run_scoped3A_323 : memref<!tpu.dma_semaphore, #tpu.memory_space<semaphore_mem>>) src(%dma_wait3A_347 : memref<4x200xi32, #tpu.memory_space<hbm>>) dst(%dma_wait3A_345 : memref<4x200xi32, #tpu.memory_space<vmem>>)
      tpu.yield
    }) : () -> ()
    %dma_start3A_143 = arith.constant 1 : i32
    %dma_start3A_144 = arith.constant 0 : i32
    %dma_start3A_145 = arith.constant 1 : i32
    %dma_start3A_146 = arith.constant 0 : i32
    %dma_start3A_147 = arith.constant 1 : i32
    %dma_start3A_148 = arith.constant 0 : i32
    %dma_start3A_149 = arith.constant 0 : i32
    %dma_start3A_150 = tpu.memref_slice %arg6[%dma_start3A_145, %dma_start3A_146, %dma_start3A_148, %dma_start3A_149] : memref<2x4x200x64xf32, #tpu.memory_space<vmem>> -> memref<1x1x104x64xf32, #tpu.memory_space<vmem>>
    %dma_start3A_151 = tpu.memref_squeeze %dma_start3A_150 : memref<1x1x104x64xf32, #tpu.memory_space<vmem>> -> memref<104x64xf32, #tpu.memory_space<vmem>>
    %dma_start3A_152 = arith.constant 0 : i32
    %dma_start3A_153 = tpu.memref_slice %arg5[%dma_start3A_143, %dma_start3A_144, %dma_start3A_152] : memref<2x4x200xi32, #tpu.memory_space<vmem>> -> memref<1x1x104xi32, #tpu.memory_space<vmem>>
    %dma_start3A_154 = tpu.memref_squeeze %dma_start3A_153 : memref<1x1x104xi32, #tpu.memory_space<vmem>> -> memref<104xi32, #tpu.memory_space<vmem>>
    %dma_start3A_155 = arith.constant 0 : i32
    %dma_start3A_156 = arith.constant 0 : i32
    %dma_start3A_157 = tpu.memref_slice %arg3[%dma_start3A_155, %dma_start3A_156] : memref<1000000x64xf32, #tpu.memory_space<hbm>> -> memref<1000000x64xf32, #tpu.memory_space<hbm>>
    %dma_start3A_158 = tpu.memref_slice %arg7[%dma_start3A_147] : memref<2x!tpu.dma_semaphore, #tpu.memory_space<semaphore_mem>> -> memref<1x!tpu.dma_semaphore, #tpu.memory_space<semaphore_mem>>
    %dma_start3A_159 = tpu.memref_squeeze %dma_start3A_158 : memref<1x!tpu.dma_semaphore, #tpu.memory_space<semaphore_mem>> -> memref<!tpu.dma_semaphore, #tpu.memory_space<semaphore_mem>>
    tpu.enqueue_indirect_dma source(%dma_start3A_157 : memref<1000000x64xf32, #tpu.memory_space<hbm>>) target(%dma_start3A_151 : memref<104x64xf32, #tpu.memory_space<vmem>>) offsets(%dma_start3A_154 : memref<104xi32, #tpu.memory_space<vmem>>) semaphore(%dma_start3A_159 : memref<!tpu.dma_semaphore, #tpu.memory_space<semaphore_mem>>)
    %dma_start3A_160 = arith.constant 1 : i32
    %dma_start3A_161 = arith.constant 0 : i32
    %dma_start3A_162 = arith.constant 1 : i32
    %dma_start3A_163 = arith.constant 0 : i32
    %dma_start3A_164 = arith.constant 1 : i32
    %dma_start3A_165 = arith.constant 104 : i32
    %dma_start3A_166 = arith.constant 0 : i32
    %dma_start3A_167 = tpu.memref_slice %arg6[%dma_start3A_162, %dma_start3A_163, %dma_start3A_165, %dma_start3A_166] : memref<2x4x200x64xf32, #tpu.memory_space<vmem>> -> memref<1x1x96x64xf32, #tpu.memory_space<vmem>>
    %dma_start3A_168 = tpu.memref_squeeze %dma_start3A_167 : memref<1x1x96x64xf32, #tpu.memory_space<vmem>> -> memref<96x64xf32, #tpu.memory_space<vmem>>
    %dma_start3A_169 = arith.constant 104 : i32
    %dma_start3A_170 = tpu.memref_slice %arg5[%dma_start3A_160, %dma_start3A_161, %dma_start3A_169] : memref<2x4x200xi32, #tpu.memory_space<vmem>> -> memref<1x1x96xi32, #tpu.memory_space<vmem>>
    %dma_start3A_171 = tpu.memref_squeeze %dma_start3A_170 : memref<1x1x96xi32, #tpu.memory_space<vmem>> -> memref<96xi32, #tpu.memory_space<vmem>>
    %dma_start3A_172 = arith.constant 0 : i32
    %dma_start3A_173 = arith.constant 0 : i32
    %dma_start3A_174 = tpu.memref_slice %arg3[%dma_start3A_172, %dma_start3A_173] : memref<1000000x64xf32, #tpu.memory_space<hbm>> -> memref<1000000x64xf32, #tpu.memory_space<hbm>>
    %dma_start3A_175 = tpu.memref_slice %arg7[%dma_start3A_164] : memref<2x!tpu.dma_semaphore, #tpu.memory_space<semaphore_mem>> -> memref<1x!tpu.dma_semaphore, #tpu.memory_space<semaphore_mem>>
    %dma_start3A_176 = tpu.memref_squeeze %dma_start3A_175 : memref<1x!tpu.dma_semaphore, #tpu.memory_space<semaphore_mem>> -> memref<!tpu.dma_semaphore, #tpu.memory_space<semaphore_mem>>
    tpu.enqueue_indirect_dma source(%dma_start3A_174 : memref<1000000x64xf32, #tpu.memory_space<hbm>>) target(%dma_start3A_168 : memref<96x64xf32, #tpu.memory_space<vmem>>) offsets(%dma_start3A_171 : memref<96xi32, #tpu.memory_space<vmem>>) semaphore(%dma_start3A_176 : memref<!tpu.dma_semaphore, #tpu.memory_space<semaphore_mem>>)
    %dma_start3A_177 = arith.constant 1 : i32
    %dma_start3A_178 = arith.constant 1 : i32
    %dma_start3A_179 = arith.constant 1 : i32
    %dma_start3A_180 = arith.constant 1 : i32
    %dma_start3A_181 = arith.constant 1 : i32
    %dma_start3A_182 = arith.constant 0 : i32
    %dma_start3A_183 = arith.constant 0 : i32
    %dma_start3A_184 = tpu.memref_slice %arg6[%dma_start3A_179, %dma_start3A_180, %dma_start3A_182, %dma_start3A_183] : memref<2x4x200x64xf32, #tpu.memory_space<vmem>> -> memref<1x1x104x64xf32, #tpu.memory_space<vmem>>
    %dma_start3A_185 = tpu.memref_squeeze %dma_start3A_184 : memref<1x1x104x64xf32, #tpu.memory_space<vmem>> -> memref<104x64xf32, #tpu.memory_space<vmem>>
    %dma_start3A_186 = arith.constant 0 : i32
    %dma_start3A_187 = tpu.memref_slice %arg5[%dma_start3A_177, %dma_start3A_178, %dma_start3A_186] : memref<2x4x200xi32, #tpu.memory_space<vmem>> -> memref<1x1x104xi32, #tpu.memory_space<vmem>>
    %dma_start3A_188 = tpu.memref_squeeze %dma_start3A_187 : memref<1x1x104xi32, #tpu.memory_space<vmem>> -> memref<104xi32, #tpu.memory_space<vmem>>
    %dma_start3A_189 = arith.constant 0 : i32
    %dma_start3A_190 = arith.constant 0 : i32
    %dma_start3A_191 = tpu.memref_slice %arg3[%dma_start3A_189, %dma_start3A_190] : memref<1000000x64xf32, #tpu.memory_space<hbm>> -> memref<1000000x64xf32, #tpu.memory_space<hbm>>
    %dma_start3A_192 = tpu.memref_slice %arg7[%dma_start3A_181] : memref<2x!tpu.dma_semaphore, #tpu.memory_space<semaphore_mem>> -> memref<1x!tpu.dma_semaphore, #tpu.memory_space<semaphore_mem>>
    %dma_start3A_193 = tpu.memref_squeeze %dma_start3A_192 : memref<1x!tpu.dma_semaphore, #tpu.memory_space<semaphore_mem>> -> memref<!tpu.dma_semaphore, #tpu.memory_space<semaphore_mem>>
    tpu.enqueue_indirect_dma source(%dma_start3A_191 : memref<1000000x64xf32, #tpu.memory_space<hbm>>) target(%dma_start3A_185 : memref<104x64xf32, #tpu.memory_space<vmem>>) offsets(%dma_start3A_188 : memref<104xi32, #tpu.memory_space<vmem>>) semaphore(%dma_start3A_193 : memref<!tpu.dma_semaphore, #tpu.memory_space<semaphore_mem>>)
    %dma_start3A_194 = arith.constant 1 : i32
    %dma_start3A_195 = arith.constant 1 : i32
    %dma_start3A_196 = arith.constant 1 : i32
    %dma_start3A_197 = arith.constant 1 : i32
    %dma_start3A_198 = arith.constant 1 : i32
    %dma_start3A_199 = arith.constant 104 : i32
    %dma_start3A_200 = arith.constant 0 : i32
    %dma_start3A_201 = tpu.memref_slice %arg6[%dma_start3A_196, %dma_start3A_197, %dma_start3A_199, %dma_start3A_200] : memref<2x4x200x64xf32, #tpu.memory_space<vmem>> -> memref<1x1x96x64xf32, #tpu.memory_space<vmem>>
    %dma_start3A_202 = tpu.memref_squeeze %dma_start3A_201 : memref<1x1x96x64xf32, #tpu.memory_space<vmem>> -> memref<96x64xf32, #tpu.memory_space<vmem>>
    %dma_start3A_203 = arith.constant 104 : i32
    %dma_start3A_204 = tpu.memref_slice %arg5[%dma_start3A_194, %dma_start3A_195, %dma_start3A_203] : memref<2x4x200xi32, #tpu.memory_space<vmem>> -> memref<1x1x96xi32, #tpu.memory_space<vmem>>
    %dma_start3A_205 = tpu.memref_squeeze %dma_start3A_204 : memref<1x1x96xi32, #tpu.memory_space<vmem>> -> memref<96xi32, #tpu.memory_space<vmem>>
    %dma_start3A_206 = arith.constant 0 : i32
    %dma_start3A_207 = arith.constant 0 : i32
    %dma_start3A_208 = tpu.memref_slice %arg3[%dma_start3A_206, %dma_start3A_207] : memref<1000000x64xf32, #tpu.memory_space<hbm>> -> memref<1000000x64xf32, #tpu.memory_space<hbm>>
    %dma_start3A_209 = tpu.memref_slice %arg7[%dma_start3A_198] : memref<2x!tpu.dma_semaphore, #tpu.memory_space<semaphore_mem>> -> memref<1x!tpu.dma_semaphore, #tpu.memory_space<semaphore_mem>>
    %dma_start3A_210 = tpu.memref_squeeze %dma_start3A_209 : memref<1x!tpu.dma_semaphore, #tpu.memory_space<semaphore_mem>> -> memref<!tpu.dma_semaphore, #tpu.memory_space<semaphore_mem>>
    tpu.enqueue_indirect_dma source(%dma_start3A_208 : memref<1000000x64xf32, #tpu.memory_space<hbm>>) target(%dma_start3A_202 : memref<96x64xf32, #tpu.memory_space<vmem>>) offsets(%dma_start3A_205 : memref<96xi32, #tpu.memory_space<vmem>>) semaphore(%dma_start3A_210 : memref<!tpu.dma_semaphore, #tpu.memory_space<semaphore_mem>>)
    %dma_start3A_211 = arith.constant 1 : i32
    %dma_start3A_212 = arith.constant 2 : i32
    %dma_start3A_213 = arith.constant 1 : i32
    %dma_start3A_214 = arith.constant 2 : i32
    %dma_start3A_215 = arith.constant 1 : i32
    %dma_start3A_216 = arith.constant 0 : i32
    %dma_start3A_217 = arith.constant 0 : i32
    %dma_start3A_218 = tpu.memref_slice %arg6[%dma_start3A_213, %dma_start3A_214, %dma_start3A_216, %dma_start3A_217] : memref<2x4x200x64xf32, #tpu.memory_space<vmem>> -> memref<1x1x104x64xf32, #tpu.memory_space<vmem>>
    %dma_start3A_219 = tpu.memref_squeeze %dma_start3A_218 : memref<1x1x104x64xf32, #tpu.memory_space<vmem>> -> memref<104x64xf32, #tpu.memory_space<vmem>>
    %dma_start3A_220 = arith.constant 0 : i32
    %dma_start3A_221 = tpu.memref_slice %arg5[%dma_start3A_211, %dma_start3A_212, %dma_start3A_220] : memref<2x4x200xi32, #tpu.memory_space<vmem>> -> memref<1x1x104xi32, #tpu.memory_space<vmem>>
    %dma_start3A_222 = tpu.memref_squeeze %dma_start3A_221 : memref<1x1x104xi32, #tpu.memory_space<vmem>> -> memref<104xi32, #tpu.memory_space<vmem>>
    %dma_start3A_223 = arith.constant 0 : i32
    %dma_start3A_224 = arith.constant 0 : i32
    %dma_start3A_225 = tpu.memref_slice %arg3[%dma_start3A_223, %dma_start3A_224] : memref<1000000x64xf32, #tpu.memory_space<hbm>> -> memref<1000000x64xf32, #tpu.memory_space<hbm>>
    %dma_start3A_226 = tpu.memref_slice %arg7[%dma_start3A_215] : memref<2x!tpu.dma_semaphore, #tpu.memory_space<semaphore_mem>> -> memref<1x!tpu.dma_semaphore, #tpu.memory_space<semaphore_mem>>
    %dma_start3A_227 = tpu.memref_squeeze %dma_start3A_226 : memref<1x!tpu.dma_semaphore, #tpu.memory_space<semaphore_mem>> -> memref<!tpu.dma_semaphore, #tpu.memory_space<semaphore_mem>>
    tpu.enqueue_indirect_dma source(%dma_start3A_225 : memref<1000000x64xf32, #tpu.memory_space<hbm>>) target(%dma_start3A_219 : memref<104x64xf32, #tpu.memory_space<vmem>>) offsets(%dma_start3A_222 : memref<104xi32, #tpu.memory_space<vmem>>) semaphore(%dma_start3A_227 : memref<!tpu.dma_semaphore, #tpu.memory_space<semaphore_mem>>)
    %dma_start3A_228 = arith.constant 1 : i32
    %dma_start3A_229 = arith.constant 2 : i32
    %dma_start3A_230 = arith.constant 1 : i32
    %dma_start3A_231 = arith.constant 2 : i32
    %dma_start3A_232 = arith.constant 1 : i32
    %dma_start3A_233 = arith.constant 104 : i32
    %dma_start3A_234 = arith.constant 0 : i32
    %dma_start3A_235 = tpu.memref_slice %arg6[%dma_start3A_230, %dma_start3A_231, %dma_start3A_233, %dma_start3A_234] : memref<2x4x200x64xf32, #tpu.memory_space<vmem>> -> memref<1x1x96x64xf32, #tpu.memory_space<vmem>>
    %dma_start3A_236 = tpu.memref_squeeze %dma_start3A_235 : memref<1x1x96x64xf32, #tpu.memory_space<vmem>> -> memref<96x64xf32, #tpu.memory_space<vmem>>
    %dma_start3A_237 = arith.constant 104 : i32
    %dma_start3A_238 = tpu.memref_slice %arg5[%dma_start3A_228, %dma_start3A_229, %dma_start3A_237] : memref<2x4x200xi32, #tpu.memory_space<vmem>> -> memref<1x1x96xi32, #tpu.memory_space<vmem>>
    %dma_start3A_239 = tpu.memref_squeeze %dma_start3A_238 : memref<1x1x96xi32, #tpu.memory_space<vmem>> -> memref<96xi32, #tpu.memory_space<vmem>>
    %dma_start3A_240 = arith.constant 0 : i32
    %dma_start3A_241 = arith.constant 0 : i32
    %dma_start3A_242 = tpu.memref_slice %arg3[%dma_start3A_240, %dma_start3A_241] : memref<1000000x64xf32, #tpu.memory_space<hbm>> -> memref<1000000x64xf32, #tpu.memory_space<hbm>>
    %dma_start3A_243 = tpu.memref_slice %arg7[%dma_start3A_232] : memref<2x!tpu.dma_semaphore, #tpu.memory_space<semaphore_mem>> -> memref<1x!tpu.dma_semaphore, #tpu.memory_space<semaphore_mem>>
    %dma_start3A_244 = tpu.memref_squeeze %dma_start3A_243 : memref<1x!tpu.dma_semaphore, #tpu.memory_space<semaphore_mem>> -> memref<!tpu.dma_semaphore, #tpu.memory_space<semaphore_mem>>
    tpu.enqueue_indirect_dma source(%dma_start3A_242 : memref<1000000x64xf32, #tpu.memory_space<hbm>>) target(%dma_start3A_236 : memref<96x64xf32, #tpu.memory_space<vmem>>) offsets(%dma_start3A_239 : memref<96xi32, #tpu.memory_space<vmem>>) semaphore(%dma_start3A_244 : memref<!tpu.dma_semaphore, #tpu.memory_space<semaphore_mem>>)
    %dma_start3A_245 = arith.constant 1 : i32
    %dma_start3A_246 = arith.constant 3 : i32
    %dma_start3A_247 = arith.constant 1 : i32
    %dma_start3A_248 = arith.constant 3 : i32
    %dma_start3A_249 = arith.constant 1 : i32
    %dma_start3A_250 = arith.constant 0 : i32
    %dma_start3A_251 = arith.constant 0 : i32
    %dma_start3A_252 = tpu.memref_slice %arg6[%dma_start3A_247, %dma_start3A_248, %dma_start3A_250, %dma_start3A_251] : memref<2x4x200x64xf32, #tpu.memory_space<vmem>> -> memref<1x1x104x64xf32, #tpu.memory_space<vmem>>
    %dma_start3A_253 = tpu.memref_squeeze %dma_start3A_252 : memref<1x1x104x64xf32, #tpu.memory_space<vmem>> -> memref<104x64xf32, #tpu.memory_space<vmem>>
    %dma_start3A_254 = arith.constant 0 : i32
    %dma_start3A_255 = tpu.memref_slice %arg5[%dma_start3A_245, %dma_start3A_246, %dma_start3A_254] : memref<2x4x200xi32, #tpu.memory_space<vmem>> -> memref<1x1x104xi32, #tpu.memory_space<vmem>>
    %dma_start3A_256 = tpu.memref_squeeze %dma_start3A_255 : memref<1x1x104xi32, #tpu.memory_space<vmem>> -> memref<104xi32, #tpu.memory_space<vmem>>
    %dma_start3A_257 = arith.constant 0 : i32
    %dma_start3A_258 = arith.constant 0 : i32
    %dma_start3A_259 = tpu.memref_slice %arg3[%dma_start3A_257, %dma_start3A_258] : memref<1000000x64xf32, #tpu.memory_space<hbm>> -> memref<1000000x64xf32, #tpu.memory_space<hbm>>
    %dma_start3A_260 = tpu.memref_slice %arg7[%dma_start3A_249] : memref<2x!tpu.dma_semaphore, #tpu.memory_space<semaphore_mem>> -> memref<1x!tpu.dma_semaphore, #tpu.memory_space<semaphore_mem>>
    %dma_start3A_261 = tpu.memref_squeeze %dma_start3A_260 : memref<1x!tpu.dma_semaphore, #tpu.memory_space<semaphore_mem>> -> memref<!tpu.dma_semaphore, #tpu.memory_space<semaphore_mem>>
    tpu.enqueue_indirect_dma source(%dma_start3A_259 : memref<1000000x64xf32, #tpu.memory_space<hbm>>) target(%dma_start3A_253 : memref<104x64xf32, #tpu.memory_space<vmem>>) offsets(%dma_start3A_256 : memref<104xi32, #tpu.memory_space<vmem>>) semaphore(%dma_start3A_261 : memref<!tpu.dma_semaphore, #tpu.memory_space<semaphore_mem>>)
    %dma_start3A_262 = arith.constant 1 : i32
    %dma_start3A_263 = arith.constant 3 : i32
    %dma_start3A_264 = arith.constant 1 : i32
    %dma_start3A_265 = arith.constant 3 : i32
    %dma_start3A_266 = arith.constant 1 : i32
    %dma_start3A_267 = arith.constant 104 : i32
    %dma_start3A_268 = arith.constant 0 : i32
    %dma_start3A_269 = tpu.memref_slice %arg6[%dma_start3A_264, %dma_start3A_265, %dma_start3A_267, %dma_start3A_268] : memref<2x4x200x64xf32, #tpu.memory_space<vmem>> -> memref<1x1x96x64xf32, #tpu.memory_space<vmem>>
    %dma_start3A_270 = tpu.memref_squeeze %dma_start3A_269 : memref<1x1x96x64xf32, #tpu.memory_space<vmem>> -> memref<96x64xf32, #tpu.memory_space<vmem>>
    %dma_start3A_271 = arith.constant 104 : i32
    %dma_start3A_272 = tpu.memref_slice %arg5[%dma_start3A_262, %dma_start3A_263, %dma_start3A_271] : memref<2x4x200xi32, #tpu.memory_space<vmem>> -> memref<1x1x96xi32, #tpu.memory_space<vmem>>
    %dma_start3A_273 = tpu.memref_squeeze %dma_start3A_272 : memref<1x1x96xi32, #tpu.memory_space<vmem>> -> memref<96xi32, #tpu.memory_space<vmem>>
    %dma_start3A_274 = arith.constant 0 : i32
    %dma_start3A_275 = arith.constant 0 : i32
    %dma_start3A_276 = tpu.memref_slice %arg3[%dma_start3A_274, %dma_start3A_275] : memref<1000000x64xf32, #tpu.memory_space<hbm>> -> memref<1000000x64xf32, #tpu.memory_space<hbm>>
    %dma_start3A_277 = tpu.memref_slice %arg7[%dma_start3A_266] : memref<2x!tpu.dma_semaphore, #tpu.memory_space<semaphore_mem>> -> memref<1x!tpu.dma_semaphore, #tpu.memory_space<semaphore_mem>>
    %dma_start3A_278 = tpu.memref_squeeze %dma_start3A_277 : memref<1x!tpu.dma_semaphore, #tpu.memory_space<semaphore_mem>> -> memref<!tpu.dma_semaphore, #tpu.memory_space<semaphore_mem>>
    tpu.enqueue_indirect_dma source(%dma_start3A_276 : memref<1000000x64xf32, #tpu.memory_space<hbm>>) target(%dma_start3A_270 : memref<96x64xf32, #tpu.memory_space<vmem>>) offsets(%dma_start3A_273 : memref<96xi32, #tpu.memory_space<vmem>>) semaphore(%dma_start3A_278 : memref<!tpu.dma_semaphore, #tpu.memory_space<semaphore_mem>>)
    %scan3A = arith.constant 0 : i32
    %scan3A_279 = arith.constant 0 : i32
    %scan3A_280 = arith.constant 16 : i32
    %scan3A_281 = arith.addi %scan3A_279, %scan3A_280 : i32
    %scan3A_282 = arith.constant 1 : i32
    scf.for %scan3A_323 = %scan3A_279 to %scan3A_281 step %scan3A_282  : i32 {
      %mul3A_324 = arith.constant 2 : i32
      %mul3A_325 = arith.muli %scan3A_323, %mul3A_324 : i32
      %add3A_326 = arith.constant 0 : i32
      %add3A_327 = arith.addi %mul3A_325, %add3A_326 : i32
      %dma_wait3A_328 = arith.constant 0 : i32
      %dma_wait3A_329 = arith.constant 0 : i32
      %dma_wait3A_330 = arith.constant 0 : i32
      %dma_wait3A_331 = arith.constant 0 : i32
      %dma_wait3A_332 = arith.constant 0 : i32
      %dma_wait3A_333 = arith.constant 0 : i32
      %dma_wait3A_334 = arith.constant 0 : i32
      %dma_wait3A_335 = tpu.memref_slice %arg6[%dma_wait3A_330, %dma_wait3A_331, %dma_wait3A_333, %dma_wait3A_334] : memref<2x4x200x64xf32, #tpu.memory_space<vmem>> -> memref<1x1x104x64xf32, #tpu.memory_space<vmem>>
      %dma_wait3A_336 = tpu.memref_squeeze %dma_wait3A_335 : memref<1x1x104x64xf32, #tpu.memory_space<vmem>> -> memref<104x64xf32, #tpu.memory_space<vmem>>
      %dma_wait3A_337 = arith.constant 0 : i32
      %dma_wait3A_338 = tpu.memref_slice %arg5[%dma_wait3A_328, %dma_wait3A_329, %dma_wait3A_337] : memref<2x4x200xi32, #tpu.memory_space<vmem>> -> memref<1x1x104xi32, #tpu.memory_space<vmem>>
      %dma_wait3A_339 = tpu.memref_squeeze %dma_wait3A_338 : memref<1x1x104xi32, #tpu.memory_space<vmem>> -> memref<104xi32, #tpu.memory_space<vmem>>
      %dma_wait3A_340 = arith.constant 0 : i32
      %dma_wait3A_341 = arith.constant 0 : i32
      %dma_wait3A_342 = tpu.memref_slice %arg3[%dma_wait3A_340, %dma_wait3A_341] : memref<1000000x64xf32, #tpu.memory_space<hbm>> -> memref<1000000x64xf32, #tpu.memory_space<hbm>>
      %dma_wait3A_343 = tpu.memref_slice %arg7[%dma_wait3A_332] : memref<2x!tpu.dma_semaphore, #tpu.memory_space<semaphore_mem>> -> memref<1x!tpu.dma_semaphore, #tpu.memory_space<semaphore_mem>>
      %dma_wait3A_344 = tpu.memref_squeeze %dma_wait3A_343 : memref<1x!tpu.dma_semaphore, #tpu.memory_space<semaphore_mem>> -> memref<!tpu.dma_semaphore, #tpu.memory_space<semaphore_mem>>
      tpu.wait_indirect_dma semaphore(%dma_wait3A_344 : memref<!tpu.dma_semaphore, #tpu.memory_space<semaphore_mem>>) src(%dma_wait3A_342 : memref<1000000x64xf32, #tpu.memory_space<hbm>>) dst(%dma_wait3A_336 : memref<104x64xf32, #tpu.memory_space<vmem>>)
      %dma_wait3A_345 = arith.constant 0 : i32
      %dma_wait3A_346 = arith.constant 0 : i32
      %dma_wait3A_347 = arith.constant 0 : i32
      %dma_wait3A_348 = arith.constant 0 : i32
      %dma_wait3A_349 = arith.constant 0 : i32
      %dma_wait3A_350 = arith.constant 104 : i32
      %dma_wait3A_351 = arith.constant 0 : i32
      %dma_wait3A_352 = tpu.memref_slice %arg6[%dma_wait3A_347, %dma_wait3A_348, %dma_wait3A_350, %dma_wait3A_351] : memref<2x4x200x64xf32, #tpu.memory_space<vmem>> -> memref<1x1x96x64xf32, #tpu.memory_space<vmem>>
      %dma_wait3A_353 = tpu.memref_squeeze %dma_wait3A_352 : memref<1x1x96x64xf32, #tpu.memory_space<vmem>> -> memref<96x64xf32, #tpu.memory_space<vmem>>
      %dma_wait3A_354 = arith.constant 104 : i32
      %dma_wait3A_355 = tpu.memref_slice %arg5[%dma_wait3A_345, %dma_wait3A_346, %dma_wait3A_354] : memref<2x4x200xi32, #tpu.memory_space<vmem>> -> memref<1x1x96xi32, #tpu.memory_space<vmem>>
      %dma_wait3A_356 = tpu.memref_squeeze %dma_wait3A_355 : memref<1x1x96xi32, #tpu.memory_space<vmem>> -> memref<96xi32, #tpu.memory_space<vmem>>
      %dma_wait3A_357 = arith.constant 0 : i32
      %dma_wait3A_358 = arith.constant 0 : i32
      %dma_wait3A_359 = tpu.memref_slice %arg3[%dma_wait3A_357, %dma_wait3A_358] : memref<1000000x64xf32, #tpu.memory_space<hbm>> -> memref<1000000x64xf32, #tpu.memory_space<hbm>>
      %dma_wait3A_360 = tpu.memref_slice %arg7[%dma_wait3A_349] : memref<2x!tpu.dma_semaphore, #tpu.memory_space<semaphore_mem>> -> memref<1x!tpu.dma_semaphore, #tpu.memory_space<semaphore_mem>>
      %dma_wait3A_361 = tpu.memref_squeeze %dma_wait3A_360 : memref<1x!tpu.dma_semaphore, #tpu.memory_space<semaphore_mem>> -> memref<!tpu.dma_semaphore, #tpu.memory_space<semaphore_mem>>
      tpu.wait_indirect_dma semaphore(%dma_wait3A_361 : memref<!tpu.dma_semaphore, #tpu.memory_space<semaphore_mem>>) src(%dma_wait3A_359 : memref<1000000x64xf32, #tpu.memory_space<hbm>>) dst(%dma_wait3A_353 : memref<96x64xf32, #tpu.memory_space<vmem>>)
      %dma_wait3A_362 = arith.constant 0 : i32
      %dma_wait3A_363 = arith.constant 1 : i32
      %dma_wait3A_364 = arith.constant 0 : i32
      %dma_wait3A_365 = arith.constant 1 : i32
      %dma_wait3A_366 = arith.constant 0 : i32
      %dma_wait3A_367 = arith.constant 0 : i32
      %dma_wait3A_368 = arith.constant 0 : i32
      %dma_wait3A_369 = tpu.memref_slice %arg6[%dma_wait3A_364, %dma_wait3A_365, %dma_wait3A_367, %dma_wait3A_368] : memref<2x4x200x64xf32, #tpu.memory_space<vmem>> -> memref<1x1x104x64xf32, #tpu.memory_space<vmem>>
      %dma_wait3A_370 = tpu.memref_squeeze %dma_wait3A_369 : memref<1x1x104x64xf32, #tpu.memory_space<vmem>> -> memref<104x64xf32, #tpu.memory_space<vmem>>
      %dma_wait3A_371 = arith.constant 0 : i32
      %dma_wait3A_372 = tpu.memref_slice %arg5[%dma_wait3A_362, %dma_wait3A_363, %dma_wait3A_371] : memref<2x4x200xi32, #tpu.memory_space<vmem>> -> memref<1x1x104xi32, #tpu.memory_space<vmem>>
      %dma_wait3A_373 = tpu.memref_squeeze %dma_wait3A_372 : memref<1x1x104xi32, #tpu.memory_space<vmem>> -> memref<104xi32, #tpu.memory_space<vmem>>
      %dma_wait3A_374 = arith.constant 0 : i32
      %dma_wait3A_375 = arith.constant 0 : i32
      %dma_wait3A_376 = tpu.memref_slice %arg3[%dma_wait3A_374, %dma_wait3A_375] : memref<1000000x64xf32, #tpu.memory_space<hbm>> -> memref<1000000x64xf32, #tpu.memory_space<hbm>>
      %dma_wait3A_377 = tpu.memref_slice %arg7[%dma_wait3A_366] : memref<2x!tpu.dma_semaphore, #tpu.memory_space<semaphore_mem>> -> memref<1x!tpu.dma_semaphore, #tpu.memory_space<semaphore_mem>>
      %dma_wait3A_378 = tpu.memref_squeeze %dma_wait3A_377 : memref<1x!tpu.dma_semaphore, #tpu.memory_space<semaphore_mem>> -> memref<!tpu.dma_semaphore, #tpu.memory_space<semaphore_mem>>
      tpu.wait_indirect_dma semaphore(%dma_wait3A_378 : memref<!tpu.dma_semaphore, #tpu.memory_space<semaphore_mem>>) src(%dma_wait3A_376 : memref<1000000x64xf32, #tpu.memory_space<hbm>>) dst(%dma_wait3A_370 : memref<104x64xf32, #tpu.memory_space<vmem>>)
      %dma_wait3A_379 = arith.constant 0 : i32
      %dma_wait3A_380 = arith.constant 1 : i32
      %dma_wait3A_381 = arith.constant 0 : i32
      %dma_wait3A_382 = arith.constant 1 : i32
      %dma_wait3A_383 = arith.constant 0 : i32
      %dma_wait3A_384 = arith.constant 104 : i32
      %dma_wait3A_385 = arith.constant 0 : i32
      %dma_wait3A_386 = tpu.memref_slice %arg6[%dma_wait3A_381, %dma_wait3A_382, %dma_wait3A_384, %dma_wait3A_385] : memref<2x4x200x64xf32, #tpu.memory_space<vmem>> -> memref<1x1x96x64xf32, #tpu.memory_space<vmem>>
      %dma_wait3A_387 = tpu.memref_squeeze %dma_wait3A_386 : memref<1x1x96x64xf32, #tpu.memory_space<vmem>> -> memref<96x64xf32, #tpu.memory_space<vmem>>
      %dma_wait3A_388 = arith.constant 104 : i32
      %dma_wait3A_389 = tpu.memref_slice %arg5[%dma_wait3A_379, %dma_wait3A_380, %dma_wait3A_388] : memref<2x4x200xi32, #tpu.memory_space<vmem>> -> memref<1x1x96xi32, #tpu.memory_space<vmem>>
      %dma_wait3A_390 = tpu.memref_squeeze %dma_wait3A_389 : memref<1x1x96xi32, #tpu.memory_space<vmem>> -> memref<96xi32, #tpu.memory_space<vmem>>
      %dma_wait3A_391 = arith.constant 0 : i32
      %dma_wait3A_392 = arith.constant 0 : i32
      %dma_wait3A_393 = tpu.memref_slice %arg3[%dma_wait3A_391, %dma_wait3A_392] : memref<1000000x64xf32, #tpu.memory_space<hbm>> -> memref<1000000x64xf32, #tpu.memory_space<hbm>>
      %dma_wait3A_394 = tpu.memref_slice %arg7[%dma_wait3A_383] : memref<2x!tpu.dma_semaphore, #tpu.memory_space<semaphore_mem>> -> memref<1x!tpu.dma_semaphore, #tpu.memory_space<semaphore_mem>>
      %dma_wait3A_395 = tpu.memref_squeeze %dma_wait3A_394 : memref<1x!tpu.dma_semaphore, #tpu.memory_space<semaphore_mem>> -> memref<!tpu.dma_semaphore, #tpu.memory_space<semaphore_mem>>
      tpu.wait_indirect_dma semaphore(%dma_wait3A_395 : memref<!tpu.dma_semaphore, #tpu.memory_space<semaphore_mem>>) src(%dma_wait3A_393 : memref<1000000x64xf32, #tpu.memory_space<hbm>>) dst(%dma_wait3A_387 : memref<96x64xf32, #tpu.memory_space<vmem>>)
      %dma_wait3A_396 = arith.constant 0 : i32
      %dma_wait3A_397 = arith.constant 2 : i32
      %dma_wait3A_398 = arith.constant 0 : i32
      %dma_wait3A_399 = arith.constant 2 : i32
      %dma_wait3A_400 = arith.constant 0 : i32
      %dma_wait3A_401 = arith.constant 0 : i32
      %dma_wait3A_402 = arith.constant 0 : i32
      %dma_wait3A_403 = tpu.memref_slice %arg6[%dma_wait3A_398, %dma_wait3A_399, %dma_wait3A_401, %dma_wait3A_402] : memref<2x4x200x64xf32, #tpu.memory_space<vmem>> -> memref<1x1x104x64xf32, #tpu.memory_space<vmem>>
      %dma_wait3A_404 = tpu.memref_squeeze %dma_wait3A_403 : memref<1x1x104x64xf32, #tpu.memory_space<vmem>> -> memref<104x64xf32, #tpu.memory_space<vmem>>
      %dma_wait3A_405 = arith.constant 0 : i32
      %dma_wait3A_406 = tpu.memref_slice %arg5[%dma_wait3A_396, %dma_wait3A_397, %dma_wait3A_405] : memref<2x4x200xi32, #tpu.memory_space<vmem>> -> memref<1x1x104xi32, #tpu.memory_space<vmem>>
      %dma_wait3A_407 = tpu.memref_squeeze %dma_wait3A_406 : memref<1x1x104xi32, #tpu.memory_space<vmem>> -> memref<104xi32, #tpu.memory_space<vmem>>
      %dma_wait3A_408 = arith.constant 0 : i32
      %dma_wait3A_409 = arith.constant 0 : i32
      %dma_wait3A_410 = tpu.memref_slice %arg3[%dma_wait3A_408, %dma_wait3A_409] : memref<1000000x64xf32, #tpu.memory_space<hbm>> -> memref<1000000x64xf32, #tpu.memory_space<hbm>>
      %dma_wait3A_411 = tpu.memref_slice %arg7[%dma_wait3A_400] : memref<2x!tpu.dma_semaphore, #tpu.memory_space<semaphore_mem>> -> memref<1x!tpu.dma_semaphore, #tpu.memory_space<semaphore_mem>>
      %dma_wait3A_412 = tpu.memref_squeeze %dma_wait3A_411 : memref<1x!tpu.dma_semaphore, #tpu.memory_space<semaphore_mem>> -> memref<!tpu.dma_semaphore, #tpu.memory_space<semaphore_mem>>
      tpu.wait_indirect_dma semaphore(%dma_wait3A_412 : memref<!tpu.dma_semaphore, #tpu.memory_space<semaphore_mem>>) src(%dma_wait3A_410 : memref<1000000x64xf32, #tpu.memory_space<hbm>>) dst(%dma_wait3A_404 : memref<104x64xf32, #tpu.memory_space<vmem>>)
      %dma_wait3A_413 = arith.constant 0 : i32
      %dma_wait3A_414 = arith.constant 2 : i32
      %dma_wait3A_415 = arith.constant 0 : i32
      %dma_wait3A_416 = arith.constant 2 : i32
      %dma_wait3A_417 = arith.constant 0 : i32
      %dma_wait3A_418 = arith.constant 104 : i32
      %dma_wait3A_419 = arith.constant 0 : i32
      %dma_wait3A_420 = tpu.memref_slice %arg6[%dma_wait3A_415, %dma_wait3A_416, %dma_wait3A_418, %dma_wait3A_419] : memref<2x4x200x64xf32, #tpu.memory_space<vmem>> -> memref<1x1x96x64xf32, #tpu.memory_space<vmem>>
      %dma_wait3A_421 = tpu.memref_squeeze %dma_wait3A_420 : memref<1x1x96x64xf32, #tpu.memory_space<vmem>> -> memref<96x64xf32, #tpu.memory_space<vmem>>
      %dma_wait3A_422 = arith.constant 104 : i32
      %dma_wait3A_423 = tpu.memref_slice %arg5[%dma_wait3A_413, %dma_wait3A_414, %dma_wait3A_422] : memref<2x4x200xi32, #tpu.memory_space<vmem>> -> memref<1x1x96xi32, #tpu.memory_space<vmem>>
      %dma_wait3A_424 = tpu.memref_squeeze %dma_wait3A_423 : memref<1x1x96xi32, #tpu.memory_space<vmem>> -> memref<96xi32, #tpu.memory_space<vmem>>
      %dma_wait3A_425 = arith.constant 0 : i32
      %dma_wait3A_426 = arith.constant 0 : i32
      %dma_wait3A_427 = tpu.memref_slice %arg3[%dma_wait3A_425, %dma_wait3A_426] : memref<1000000x64xf32, #tpu.memory_space<hbm>> -> memref<1000000x64xf32, #tpu.memory_space<hbm>>
      %dma_wait3A_428 = tpu.memref_slice %arg7[%dma_wait3A_417] : memref<2x!tpu.dma_semaphore, #tpu.memory_space<semaphore_mem>> -> memref<1x!tpu.dma_semaphore, #tpu.memory_space<semaphore_mem>>
      %dma_wait3A_429 = tpu.memref_squeeze %dma_wait3A_428 : memref<1x!tpu.dma_semaphore, #tpu.memory_space<semaphore_mem>> -> memref<!tpu.dma_semaphore, #tpu.memory_space<semaphore_mem>>
      tpu.wait_indirect_dma semaphore(%dma_wait3A_429 : memref<!tpu.dma_semaphore, #tpu.memory_space<semaphore_mem>>) src(%dma_wait3A_427 : memref<1000000x64xf32, #tpu.memory_space<hbm>>) dst(%dma_wait3A_421 : memref<96x64xf32, #tpu.memory_space<vmem>>)
      %dma_wait3A_430 = arith.constant 0 : i32
      %dma_wait3A_431 = arith.constant 3 : i32
      %dma_wait3A_432 = arith.constant 0 : i32
      %dma_wait3A_433 = arith.constant 3 : i32
      %dma_wait3A_434 = arith.constant 0 : i32
      %dma_wait3A_435 = arith.constant 0 : i32
      %dma_wait3A_436 = arith.constant 0 : i32
      %dma_wait3A_437 = tpu.memref_slice %arg6[%dma_wait3A_432, %dma_wait3A_433, %dma_wait3A_435, %dma_wait3A_436] : memref<2x4x200x64xf32, #tpu.memory_space<vmem>> -> memref<1x1x104x64xf32, #tpu.memory_space<vmem>>
      %dma_wait3A_438 = tpu.memref_squeeze %dma_wait3A_437 : memref<1x1x104x64xf32, #tpu.memory_space<vmem>> -> memref<104x64xf32, #tpu.memory_space<vmem>>
      %dma_wait3A_439 = arith.constant 0 : i32
      %dma_wait3A_440 = tpu.memref_slice %arg5[%dma_wait3A_430, %dma_wait3A_431, %dma_wait3A_439] : memref<2x4x200xi32, #tpu.memory_space<vmem>> -> memref<1x1x104xi32, #tpu.memory_space<vmem>>
      %dma_wait3A_441 = tpu.memref_squeeze %dma_wait3A_440 : memref<1x1x104xi32, #tpu.memory_space<vmem>> -> memref<104xi32, #tpu.memory_space<vmem>>
      %dma_wait3A_442 = arith.constant 0 : i32
      %dma_wait3A_443 = arith.constant 0 : i32
      %dma_wait3A_444 = tpu.memref_slice %arg3[%dma_wait3A_442, %dma_wait3A_443] : memref<1000000x64xf32, #tpu.memory_space<hbm>> -> memref<1000000x64xf32, #tpu.memory_space<hbm>>
      %dma_wait3A_445 = tpu.memref_slice %arg7[%dma_wait3A_434] : memref<2x!tpu.dma_semaphore, #tpu.memory_space<semaphore_mem>> -> memref<1x!tpu.dma_semaphore, #tpu.memory_space<semaphore_mem>>
      %dma_wait3A_446 = tpu.memref_squeeze %dma_wait3A_445 : memref<1x!tpu.dma_semaphore, #tpu.memory_space<semaphore_mem>> -> memref<!tpu.dma_semaphore, #tpu.memory_space<semaphore_mem>>
      tpu.wait_indirect_dma semaphore(%dma_wait3A_446 : memref<!tpu.dma_semaphore, #tpu.memory_space<semaphore_mem>>) src(%dma_wait3A_444 : memref<1000000x64xf32, #tpu.memory_space<hbm>>) dst(%dma_wait3A_438 : memref<104x64xf32, #tpu.memory_space<vmem>>)
      %dma_wait3A_447 = arith.constant 0 : i32
      %dma_wait3A_448 = arith.constant 3 : i32
      %dma_wait3A_449 = arith.constant 0 : i32
      %dma_wait3A_450 = arith.constant 3 : i32
      %dma_wait3A_451 = arith.constant 0 : i32
      %dma_wait3A_452 = arith.constant 104 : i32
      %dma_wait3A_453 = arith.constant 0 : i32
      %dma_wait3A_454 = tpu.memref_slice %arg6[%dma_wait3A_449, %dma_wait3A_450, %dma_wait3A_452, %dma_wait3A_453] : memref<2x4x200x64xf32, #tpu.memory_space<vmem>> -> memref<1x1x96x64xf32, #tpu.memory_space<vmem>>
      %dma_wait3A_455 = tpu.memref_squeeze %dma_wait3A_454 : memref<1x1x96x64xf32, #tpu.memory_space<vmem>> -> memref<96x64xf32, #tpu.memory_space<vmem>>
      %dma_wait3A_456 = arith.constant 104 : i32
      %dma_wait3A_457 = tpu.memref_slice %arg5[%dma_wait3A_447, %dma_wait3A_448, %dma_wait3A_456] : memref<2x4x200xi32, #tpu.memory_space<vmem>> -> memref<1x1x96xi32, #tpu.memory_space<vmem>>
      %dma_wait3A_458 = tpu.memref_squeeze %dma_wait3A_457 : memref<1x1x96xi32, #tpu.memory_space<vmem>> -> memref<96xi32, #tpu.memory_space<vmem>>
      %dma_wait3A_459 = arith.constant 0 : i32
      %dma_wait3A_460 = arith.constant 0 : i32
      %dma_wait3A_461 = tpu.memref_slice %arg3[%dma_wait3A_459, %dma_wait3A_460] : memref<1000000x64xf32, #tpu.memory_space<hbm>> -> memref<1000000x64xf32, #tpu.memory_space<hbm>>
      %dma_wait3A_462 = tpu.memref_slice %arg7[%dma_wait3A_451] : memref<2x!tpu.dma_semaphore, #tpu.memory_space<semaphore_mem>> -> memref<1x!tpu.dma_semaphore, #tpu.memory_space<semaphore_mem>>
      %dma_wait3A_463 = tpu.memref_squeeze %dma_wait3A_462 : memref<1x!tpu.dma_semaphore, #tpu.memory_space<semaphore_mem>> -> memref<!tpu.dma_semaphore, #tpu.memory_space<semaphore_mem>>
      tpu.wait_indirect_dma semaphore(%dma_wait3A_463 : memref<!tpu.dma_semaphore, #tpu.memory_space<semaphore_mem>>) src(%dma_wait3A_461 : memref<1000000x64xf32, #tpu.memory_space<hbm>>) dst(%dma_wait3A_455 : memref<96x64xf32, #tpu.memory_space<vmem>>)
      %mul3A_464 = arith.constant 4 : i32
      %mul3A_465 = arith.muli %add3A_327, %mul3A_464 : i32
      %add3A_466 = arith.addi %mul3A_2, %mul3A_465 : i32
      %dma_start3A_467 = arith.constant 0 : i32
      %dma_start3A_468 = arith.constant 0 : i32
      %dma_start3A_469 = arith.constant 0 : i32
      %dma_start3A_470 = arith.constant 0 : i32
      %dma_start3A_471 = arith.constant 0 : i32
      %dma_start3A_472 = tpu.memref_slice %arg6[%dma_start3A_467, %dma_start3A_469, %dma_start3A_470, %dma_start3A_471] : memref<2x4x200x64xf32, #tpu.memory_space<vmem>> -> memref<1x4x200x64xf32, #tpu.memory_space<vmem>>
      %dma_start3A_473 = tpu.memref_squeeze %dma_start3A_472 : memref<1x4x200x64xf32, #tpu.memory_space<vmem>> -> memref<4x200x64xf32, #tpu.memory_space<vmem>>
      %dma_start3A_474 = arith.constant 0 : i32
      %dma_start3A_475 = arith.constant 0 : i32
      %dma_start3A_476 = tpu.memref_slice %arg4[%add3A_466, %dma_start3A_474, %dma_start3A_475] : memref<4096x200x128xf32, #tpu.memory_space<hbm>> -> memref<4x200x64xf32, #tpu.memory_space<hbm>>
      %dma_start3A_477 = tpu.memref_slice %arg8[%dma_start3A_468] : memref<2x!tpu.dma_semaphore, #tpu.memory_space<semaphore_mem>> -> memref<1x!tpu.dma_semaphore, #tpu.memory_space<semaphore_mem>>
      %dma_start3A_478 = tpu.memref_squeeze %dma_start3A_477 : memref<1x!tpu.dma_semaphore, #tpu.memory_space<semaphore_mem>> -> memref<!tpu.dma_semaphore, #tpu.memory_space<semaphore_mem>>
      %dma_start3A_479 = arith.constant 0 : i32
      %dma_start3A_480 = arith.constant 0 : i32
      %dma_start3A_481 = tpu.memref_slice %arg4[%add3A_466, %dma_start3A_479, %dma_start3A_480] : memref<4096x200x128xf32, #tpu.memory_space<hbm>> -> memref<4x200x64xf32, #tpu.memory_space<hbm>>
      %dma_start3A_482 = arith.constant 0 : i32
      %dma_start3A_483 = arith.constant 0 : i32
      %dma_start3A_484 = arith.constant 0 : i32
      %dma_start3A_485 = tpu.memref_slice %arg6[%dma_start3A_467, %dma_start3A_482, %dma_start3A_483, %dma_start3A_484] : memref<2x4x200x64xf32, #tpu.memory_space<vmem>> -> memref<1x4x200x64xf32, #tpu.memory_space<vmem>>
      %dma_start3A_486 = tpu.memref_squeeze %dma_start3A_485 : memref<1x4x200x64xf32, #tpu.memory_space<vmem>> -> memref<4x200x64xf32, #tpu.memory_space<vmem>>
      tpu.enqueue_dma source(%dma_start3A_486 : memref<4x200x64xf32, #tpu.memory_space<vmem>>) target(%dma_start3A_481 : memref<4x200x64xf32, #tpu.memory_space<hbm>>) target_semaphore(%dma_start3A_478 : memref<!tpu.dma_semaphore, #tpu.memory_space<semaphore_mem>>)
      %add3A_487 = arith.constant 0 : i32
      %add3A_488 = arith.addi %mul3A_325, %add3A_487 : i32
      %add3A_489 = arith.constant 2 : i32
      %add3A_490 = arith.addi %add3A_488, %add3A_489 : i32
      %lt3A = arith.constant 32 : i32
      %lt3A_491 = arith.cmpi slt, %add3A_490, %lt3A : i32
      %convert_element_type3A = arith.extui %lt3A_491 : i1 to i32
      %cond3A = arith.constant 0 : i32
      %cond3A_492 = arith.cmpi ne, %convert_element_type3A, %cond3A : i32
      scf.if %cond3A_492 {
        %dma_wait3A_663 = arith.constant 0 : i32
        %dma_wait3A_664 = arith.constant 0 : i32
        %dma_wait3A_665 = arith.constant 0 : i32
        %dma_wait3A_666 = arith.constant 0 : i32
        %dma_wait3A_667 = arith.constant 0 : i32
        %dma_wait3A_668 = tpu.memref_slice %arg6[%dma_wait3A_663, %dma_wait3A_665, %dma_wait3A_666, %dma_wait3A_667] : memref<2x4x200x64xf32, #tpu.memory_space<vmem>> -> memref<1x4x200x64xf32, #tpu.memory_space<vmem>>
        %dma_wait3A_669 = tpu.memref_squeeze %dma_wait3A_668 : memref<1x4x200x64xf32, #tpu.memory_space<vmem>> -> memref<4x200x64xf32, #tpu.memory_space<vmem>>
        %dma_wait3A_670 = arith.constant 0 : i32
        %dma_wait3A_671 = arith.constant 0 : i32
        %dma_wait3A_672 = tpu.memref_slice %arg4[%mul3A_2, %dma_wait3A_670, %dma_wait3A_671] : memref<4096x200x128xf32, #tpu.memory_space<hbm>> -> memref<4x200x64xf32, #tpu.memory_space<hbm>>
        %dma_wait3A_673 = tpu.memref_slice %arg8[%dma_wait3A_664] : memref<2x!tpu.dma_semaphore, #tpu.memory_space<semaphore_mem>> -> memref<1x!tpu.dma_semaphore, #tpu.memory_space<semaphore_mem>>
        %dma_wait3A_674 = tpu.memref_squeeze %dma_wait3A_673 : memref<1x!tpu.dma_semaphore, #tpu.memory_space<semaphore_mem>> -> memref<!tpu.dma_semaphore, #tpu.memory_space<semaphore_mem>>
        %dma_wait3A_675 = arith.constant 0 : i32
        %dma_wait3A_676 = arith.constant 0 : i32
        %dma_wait3A_677 = tpu.memref_slice %arg4[%mul3A_2, %dma_wait3A_675, %dma_wait3A_676] : memref<4096x200x128xf32, #tpu.memory_space<hbm>> -> memref<4x200x64xf32, #tpu.memory_space<hbm>>
        %dma_wait3A_678 = arith.constant 0 : i32
        %dma_wait3A_679 = arith.constant 0 : i32
        %dma_wait3A_680 = arith.constant 0 : i32
        %dma_wait3A_681 = tpu.memref_slice %arg6[%dma_wait3A_663, %dma_wait3A_678, %dma_wait3A_679, %dma_wait3A_680] : memref<2x4x200x64xf32, #tpu.memory_space<vmem>> -> memref<1x4x200x64xf32, #tpu.memory_space<vmem>>
        %dma_wait3A_682 = tpu.memref_squeeze %dma_wait3A_681 : memref<1x4x200x64xf32, #tpu.memory_space<vmem>> -> memref<4x200x64xf32, #tpu.memory_space<vmem>>
        tpu.wait_dma2 semaphore(%dma_wait3A_674 : memref<!tpu.dma_semaphore, #tpu.memory_space<semaphore_mem>>) src(%dma_wait3A_682 : memref<4x200x64xf32, #tpu.memory_space<vmem>>) dst(%dma_wait3A_677 : memref<4x200x64xf32, #tpu.memory_space<hbm>>)
        %mul3A_683 = arith.constant 4 : i32
        %mul3A_684 = arith.muli %add3A_490, %mul3A_683 : i32
        %add3A_685 = arith.addi %mul3A_2, %mul3A_684 : i32
        %run_scoped3A_686 = arith.constant 0 : i32
        "tpu.region"() ({
          %run_scoped3A_823 = tpu.sem_alloc : memref<!tpu.dma_semaphore, #tpu.memory_space<semaphore_mem>>
          %dma_start3A_824 = arith.constant 0 : i32
          %dma_start3A_825 = arith.constant 0 : i32
          %dma_start3A_826 = tpu.memref_slice %arg5[%run_scoped3A_686, %dma_start3A_824, %dma_start3A_825] : memref<2x4x200xi32, #tpu.memory_space<vmem>> -> memref<1x4x200xi32, #tpu.memory_space<vmem>>
          %dma_start3A_827 = tpu.memref_squeeze %dma_start3A_826 : memref<1x4x200xi32, #tpu.memory_space<vmem>> -> memref<4x200xi32, #tpu.memory_space<vmem>>
          %dma_start3A_828 = arith.constant 0 : i32
          %dma_start3A_829 = tpu.memref_slice %arg2[%add3A_685, %dma_start3A_828] : memref<4096x200xi32, #tpu.memory_space<hbm>> -> memref<4x200xi32, #tpu.memory_space<hbm>>
          %dma_start3A_830 = arith.constant 0 : i32
          %dma_start3A_831 = arith.constant 0 : i32
          %dma_start3A_832 = tpu.memref_slice %arg5[%run_scoped3A_686, %dma_start3A_830, %dma_start3A_831] : memref<2x4x200xi32, #tpu.memory_space<vmem>> -> memref<1x4x200xi32, #tpu.memory_space<vmem>>
          %dma_start3A_833 = tpu.memref_squeeze %dma_start3A_832 : memref<1x4x200xi32, #tpu.memory_space<vmem>> -> memref<4x200xi32, #tpu.memory_space<vmem>>
          %dma_start3A_834 = arith.constant 0 : i32
          %dma_start3A_835 = tpu.memref_slice %arg2[%add3A_685, %dma_start3A_834] : memref<4096x200xi32, #tpu.memory_space<hbm>> -> memref<4x200xi32, #tpu.memory_space<hbm>>
          tpu.enqueue_dma source(%dma_start3A_835 : memref<4x200xi32, #tpu.memory_space<hbm>>) target(%dma_start3A_833 : memref<4x200xi32, #tpu.memory_space<vmem>>) target_semaphore(%run_scoped3A_823 : memref<!tpu.dma_semaphore, #tpu.memory_space<semaphore_mem>>)
          %dma_wait3A_836 = arith.constant 0 : i32
          %dma_wait3A_837 = arith.constant 0 : i32
          %dma_wait3A_838 = tpu.memref_slice %arg5[%run_scoped3A_686, %dma_wait3A_836, %dma_wait3A_837] : memref<2x4x200xi32, #tpu.memory_space<vmem>> -> memref<1x4x200xi32, #tpu.memory_space<vmem>>
          %dma_wait3A_839 = tpu.memref_squeeze %dma_wait3A_838 : memref<1x4x200xi32, #tpu.memory_space<vmem>> -> memref<4x200xi32, #tpu.memory_space<vmem>>
          %dma_wait3A_840 = arith.constant 0 : i32
          %dma_wait3A_841 = tpu.memref_slice %arg2[%add3A_685, %dma_wait3A_840] : memref<4096x200xi32, #tpu.memory_space<hbm>> -> memref<4x200xi32, #tpu.memory_space<hbm>>
          %dma_wait3A_842 = arith.constant 0 : i32
          %dma_wait3A_843 = arith.constant 0 : i32
          %dma_wait3A_844 = tpu.memref_slice %arg5[%run_scoped3A_686, %dma_wait3A_842, %dma_wait3A_843] : memref<2x4x200xi32, #tpu.memory_space<vmem>> -> memref<1x4x200xi32, #tpu.memory_space<vmem>>
          %dma_wait3A_845 = tpu.memref_squeeze %dma_wait3A_844 : memref<1x4x200xi32, #tpu.memory_space<vmem>> -> memref<4x200xi32, #tpu.memory_space<vmem>>
          %dma_wait3A_846 = arith.constant 0 : i32
          %dma_wait3A_847 = tpu.memref_slice %arg2[%add3A_685, %dma_wait3A_846] : memref<4096x200xi32, #tpu.memory_space<hbm>> -> memref<4x200xi32, #tpu.memory_space<hbm>>
          tpu.wait_dma2 semaphore(%run_scoped3A_823 : memref<!tpu.dma_semaphore, #tpu.memory_space<semaphore_mem>>) src(%dma_wait3A_847 : memref<4x200xi32, #tpu.memory_space<hbm>>) dst(%dma_wait3A_845 : memref<4x200xi32, #tpu.memory_space<vmem>>)
          tpu.yield
        }) : () -> ()
        %dma_start3A_687 = arith.constant 0 : i32
        %dma_start3A_688 = arith.constant 0 : i32
        %dma_start3A_689 = arith.constant 0 : i32
        %dma_start3A_690 = arith.constant 0 : i32
        %dma_start3A_691 = arith.constant 0 : i32
        %dma_start3A_692 = arith.constant 0 : i32
        %dma_start3A_693 = arith.constant 0 : i32
        %dma_start3A_694 = tpu.memref_slice %arg6[%dma_start3A_689, %dma_start3A_690, %dma_start3A_692, %dma_start3A_693] : memref<2x4x200x64xf32, #tpu.memory_space<vmem>> -> memref<1x1x104x64xf32, #tpu.memory_space<vmem>>
        %dma_start3A_695 = tpu.memref_squeeze %dma_start3A_694 : memref<1x1x104x64xf32, #tpu.memory_space<vmem>> -> memref<104x64xf32, #tpu.memory_space<vmem>>
        %dma_start3A_696 = arith.constant 0 : i32
        %dma_start3A_697 = tpu.memref_slice %arg5[%dma_start3A_687, %dma_start3A_688, %dma_start3A_696] : memref<2x4x200xi32, #tpu.memory_space<vmem>> -> memref<1x1x104xi32, #tpu.memory_space<vmem>>
        %dma_start3A_698 = tpu.memref_squeeze %dma_start3A_697 : memref<1x1x104xi32, #tpu.memory_space<vmem>> -> memref<104xi32, #tpu.memory_space<vmem>>
        %dma_start3A_699 = arith.constant 0 : i32
        %dma_start3A_700 = arith.constant 0 : i32
        %dma_start3A_701 = tpu.memref_slice %arg3[%dma_start3A_699, %dma_start3A_700] : memref<1000000x64xf32, #tpu.memory_space<hbm>> -> memref<1000000x64xf32, #tpu.memory_space<hbm>>
        %dma_start3A_702 = tpu.memref_slice %arg7[%dma_start3A_691] : memref<2x!tpu.dma_semaphore, #tpu.memory_space<semaphore_mem>> -> memref<1x!tpu.dma_semaphore, #tpu.memory_space<semaphore_mem>>
        %dma_start3A_703 = tpu.memref_squeeze %dma_start3A_702 : memref<1x!tpu.dma_semaphore, #tpu.memory_space<semaphore_mem>> -> memref<!tpu.dma_semaphore, #tpu.memory_space<semaphore_mem>>
        tpu.enqueue_indirect_dma source(%dma_start3A_701 : memref<1000000x64xf32, #tpu.memory_space<hbm>>) target(%dma_start3A_695 : memref<104x64xf32, #tpu.memory_space<vmem>>) offsets(%dma_start3A_698 : memref<104xi32, #tpu.memory_space<vmem>>) semaphore(%dma_start3A_703 : memref<!tpu.dma_semaphore, #tpu.memory_space<semaphore_mem>>)
        %dma_start3A_704 = arith.constant 0 : i32
        %dma_start3A_705 = arith.constant 0 : i32
        %dma_start3A_706 = arith.constant 0 : i32
        %dma_start3A_707 = arith.constant 0 : i32
        %dma_start3A_708 = arith.constant 0 : i32
        %dma_start3A_709 = arith.constant 104 : i32
        %dma_start3A_710 = arith.constant 0 : i32
        %dma_start3A_711 = tpu.memref_slice %arg6[%dma_start3A_706, %dma_start3A_707, %dma_start3A_709, %dma_start3A_710] : memref<2x4x200x64xf32, #tpu.memory_space<vmem>> -> memref<1x1x96x64xf32, #tpu.memory_space<vmem>>
        %dma_start3A_712 = tpu.memref_squeeze %dma_start3A_711 : memref<1x1x96x64xf32, #tpu.memory_space<vmem>> -> memref<96x64xf32, #tpu.memory_space<vmem>>
        %dma_start3A_713 = arith.constant 104 : i32
        %dma_start3A_714 = tpu.memref_slice %arg5[%dma_start3A_704, %dma_start3A_705, %dma_start3A_713] : memref<2x4x200xi32, #tpu.memory_space<vmem>> -> memref<1x1x96xi32, #tpu.memory_space<vmem>>
        %dma_start3A_715 = tpu.memref_squeeze %dma_start3A_714 : memref<1x1x96xi32, #tpu.memory_space<vmem>> -> memref<96xi32, #tpu.memory_space<vmem>>
        %dma_start3A_716 = arith.constant 0 : i32
        %dma_start3A_717 = arith.constant 0 : i32
        %dma_start3A_718 = tpu.memref_slice %arg3[%dma_start3A_716, %dma_start3A_717] : memref<1000000x64xf32, #tpu.memory_space<hbm>> -> memref<1000000x64xf32, #tpu.memory_space<hbm>>
        %dma_start3A_719 = tpu.memref_slice %arg7[%dma_start3A_708] : memref<2x!tpu.dma_semaphore, #tpu.memory_space<semaphore_mem>> -> memref<1x!tpu.dma_semaphore, #tpu.memory_space<semaphore_mem>>
        %dma_start3A_720 = tpu.memref_squeeze %dma_start3A_719 : memref<1x!tpu.dma_semaphore, #tpu.memory_space<semaphore_mem>> -> memref<!tpu.dma_semaphore, #tpu.memory_space<semaphore_mem>>
        tpu.enqueue_indirect_dma source(%dma_start3A_718 : memref<1000000x64xf32, #tpu.memory_space<hbm>>) target(%dma_start3A_712 : memref<96x64xf32, #tpu.memory_space<vmem>>) offsets(%dma_start3A_715 : memref<96xi32, #tpu.memory_space<vmem>>) semaphore(%dma_start3A_720 : memref<!tpu.dma_semaphore, #tpu.memory_space<semaphore_mem>>)
        %dma_start3A_721 = arith.constant 0 : i32
        %dma_start3A_722 = arith.constant 1 : i32
        %dma_start3A_723 = arith.constant 0 : i32
        %dma_start3A_724 = arith.constant 1 : i32
        %dma_start3A_725 = arith.constant 0 : i32
        %dma_start3A_726 = arith.constant 0 : i32
        %dma_start3A_727 = arith.constant 0 : i32
        %dma_start3A_728 = tpu.memref_slice %arg6[%dma_start3A_723, %dma_start3A_724, %dma_start3A_726, %dma_start3A_727] : memref<2x4x200x64xf32, #tpu.memory_space<vmem>> -> memref<1x1x104x64xf32, #tpu.memory_space<vmem>>
        %dma_start3A_729 = tpu.memref_squeeze %dma_start3A_728 : memref<1x1x104x64xf32, #tpu.memory_space<vmem>> -> memref<104x64xf32, #tpu.memory_space<vmem>>
        %dma_start3A_730 = arith.constant 0 : i32
        %dma_start3A_731 = tpu.memref_slice %arg5[%dma_start3A_721, %dma_start3A_722, %dma_start3A_730] : memref<2x4x200xi32, #tpu.memory_space<vmem>> -> memref<1x1x104xi32, #tpu.memory_space<vmem>>
        %dma_start3A_732 = tpu.memref_squeeze %dma_start3A_731 : memref<1x1x104xi32, #tpu.memory_space<vmem>> -> memref<104xi32, #tpu.memory_space<vmem>>
        %dma_start3A_733 = arith.constant 0 : i32
        %dma_start3A_734 = arith.constant 0 : i32
        %dma_start3A_735 = tpu.memref_slice %arg3[%dma_start3A_733, %dma_start3A_734] : memref<1000000x64xf32, #tpu.memory_space<hbm>> -> memref<1000000x64xf32, #tpu.memory_space<hbm>>
        %dma_start3A_736 = tpu.memref_slice %arg7[%dma_start3A_725] : memref<2x!tpu.dma_semaphore, #tpu.memory_space<semaphore_mem>> -> memref<1x!tpu.dma_semaphore, #tpu.memory_space<semaphore_mem>>
        %dma_start3A_737 = tpu.memref_squeeze %dma_start3A_736 : memref<1x!tpu.dma_semaphore, #tpu.memory_space<semaphore_mem>> -> memref<!tpu.dma_semaphore, #tpu.memory_space<semaphore_mem>>
        tpu.enqueue_indirect_dma source(%dma_start3A_735 : memref<1000000x64xf32, #tpu.memory_space<hbm>>) target(%dma_start3A_729 : memref<104x64xf32, #tpu.memory_space<vmem>>) offsets(%dma_start3A_732 : memref<104xi32, #tpu.memory_space<vmem>>) semaphore(%dma_start3A_737 : memref<!tpu.dma_semaphore, #tpu.memory_space<semaphore_mem>>)
        %dma_start3A_738 = arith.constant 0 : i32
        %dma_start3A_739 = arith.constant 1 : i32
        %dma_start3A_740 = arith.constant 0 : i32
        %dma_start3A_741 = arith.constant 1 : i32
        %dma_start3A_742 = arith.constant 0 : i32
        %dma_start3A_743 = arith.constant 104 : i32
        %dma_start3A_744 = arith.constant 0 : i32
        %dma_start3A_745 = tpu.memref_slice %arg6[%dma_start3A_740, %dma_start3A_741, %dma_start3A_743, %dma_start3A_744] : memref<2x4x200x64xf32, #tpu.memory_space<vmem>> -> memref<1x1x96x64xf32, #tpu.memory_space<vmem>>
        %dma_start3A_746 = tpu.memref_squeeze %dma_start3A_745 : memref<1x1x96x64xf32, #tpu.memory_space<vmem>> -> memref<96x64xf32, #tpu.memory_space<vmem>>
        %dma_start3A_747 = arith.constant 104 : i32
        %dma_start3A_748 = tpu.memref_slice %arg5[%dma_start3A_738, %dma_start3A_739, %dma_start3A_747] : memref<2x4x200xi32, #tpu.memory_space<vmem>> -> memref<1x1x96xi32, #tpu.memory_space<vmem>>
        %dma_start3A_749 = tpu.memref_squeeze %dma_start3A_748 : memref<1x1x96xi32, #tpu.memory_space<vmem>> -> memref<96xi32, #tpu.memory_space<vmem>>
        %dma_start3A_750 = arith.constant 0 : i32
        %dma_start3A_751 = arith.constant 0 : i32
        %dma_start3A_752 = tpu.memref_slice %arg3[%dma_start3A_750, %dma_start3A_751] : memref<1000000x64xf32, #tpu.memory_space<hbm>> -> memref<1000000x64xf32, #tpu.memory_space<hbm>>
        %dma_start3A_753 = tpu.memref_slice %arg7[%dma_start3A_742] : memref<2x!tpu.dma_semaphore, #tpu.memory_space<semaphore_mem>> -> memref<1x!tpu.dma_semaphore, #tpu.memory_space<semaphore_mem>>
        %dma_start3A_754 = tpu.memref_squeeze %dma_start3A_753 : memref<1x!tpu.dma_semaphore, #tpu.memory_space<semaphore_mem>> -> memref<!tpu.dma_semaphore, #tpu.memory_space<semaphore_mem>>
        tpu.enqueue_indirect_dma source(%dma_start3A_752 : memref<1000000x64xf32, #tpu.memory_space<hbm>>) target(%dma_start3A_746 : memref<96x64xf32, #tpu.memory_space<vmem>>) offsets(%dma_start3A_749 : memref<96xi32, #tpu.memory_space<vmem>>) semaphore(%dma_start3A_754 : memref<!tpu.dma_semaphore, #tpu.memory_space<semaphore_mem>>)
        %dma_start3A_755 = arith.constant 0 : i32
        %dma_start3A_756 = arith.constant 2 : i32
        %dma_start3A_757 = arith.constant 0 : i32
        %dma_start3A_758 = arith.constant 2 : i32
        %dma_start3A_759 = arith.constant 0 : i32
        %dma_start3A_760 = arith.constant 0 : i32
        %dma_start3A_761 = arith.constant 0 : i32
        %dma_start3A_762 = tpu.memref_slice %arg6[%dma_start3A_757, %dma_start3A_758, %dma_start3A_760, %dma_start3A_761] : memref<2x4x200x64xf32, #tpu.memory_space<vmem>> -> memref<1x1x104x64xf32, #tpu.memory_space<vmem>>
        %dma_start3A_763 = tpu.memref_squeeze %dma_start3A_762 : memref<1x1x104x64xf32, #tpu.memory_space<vmem>> -> memref<104x64xf32, #tpu.memory_space<vmem>>
        %dma_start3A_764 = arith.constant 0 : i32
        %dma_start3A_765 = tpu.memref_slice %arg5[%dma_start3A_755, %dma_start3A_756, %dma_start3A_764] : memref<2x4x200xi32, #tpu.memory_space<vmem>> -> memref<1x1x104xi32, #tpu.memory_space<vmem>>
        %dma_start3A_766 = tpu.memref_squeeze %dma_start3A_765 : memref<1x1x104xi32, #tpu.memory_space<vmem>> -> memref<104xi32, #tpu.memory_space<vmem>>
        %dma_start3A_767 = arith.constant 0 : i32
        %dma_start3A_768 = arith.constant 0 : i32
        %dma_start3A_769 = tpu.memref_slice %arg3[%dma_start3A_767, %dma_start3A_768] : memref<1000000x64xf32, #tpu.memory_space<hbm>> -> memref<1000000x64xf32, #tpu.memory_space<hbm>>
        %dma_start3A_770 = tpu.memref_slice %arg7[%dma_start3A_759] : memref<2x!tpu.dma_semaphore, #tpu.memory_space<semaphore_mem>> -> memref<1x!tpu.dma_semaphore, #tpu.memory_space<semaphore_mem>>
        %dma_start3A_771 = tpu.memref_squeeze %dma_start3A_770 : memref<1x!tpu.dma_semaphore, #tpu.memory_space<semaphore_mem>> -> memref<!tpu.dma_semaphore, #tpu.memory_space<semaphore_mem>>
        tpu.enqueue_indirect_dma source(%dma_start3A_769 : memref<1000000x64xf32, #tpu.memory_space<hbm>>) target(%dma_start3A_763 : memref<104x64xf32, #tpu.memory_space<vmem>>) offsets(%dma_start3A_766 : memref<104xi32, #tpu.memory_space<vmem>>) semaphore(%dma_start3A_771 : memref<!tpu.dma_semaphore, #tpu.memory_space<semaphore_mem>>)
        %dma_start3A_772 = arith.constant 0 : i32
        %dma_start3A_773 = arith.constant 2 : i32
        %dma_start3A_774 = arith.constant 0 : i32
        %dma_start3A_775 = arith.constant 2 : i32
        %dma_start3A_776 = arith.constant 0 : i32
        %dma_start3A_777 = arith.constant 104 : i32
        %dma_start3A_778 = arith.constant 0 : i32
        %dma_start3A_779 = tpu.memref_slice %arg6[%dma_start3A_774, %dma_start3A_775, %dma_start3A_777, %dma_start3A_778] : memref<2x4x200x64xf32, #tpu.memory_space<vmem>> -> memref<1x1x96x64xf32, #tpu.memory_space<vmem>>
        %dma_start3A_780 = tpu.memref_squeeze %dma_start3A_779 : memref<1x1x96x64xf32, #tpu.memory_space<vmem>> -> memref<96x64xf32, #tpu.memory_space<vmem>>
        %dma_start3A_781 = arith.constant 104 : i32
        %dma_start3A_782 = tpu.memref_slice %arg5[%dma_start3A_772, %dma_start3A_773, %dma_start3A_781] : memref<2x4x200xi32, #tpu.memory_space<vmem>> -> memref<1x1x96xi32, #tpu.memory_space<vmem>>
        %dma_start3A_783 = tpu.memref_squeeze %dma_start3A_782 : memref<1x1x96xi32, #tpu.memory_space<vmem>> -> memref<96xi32, #tpu.memory_space<vmem>>
        %dma_start3A_784 = arith.constant 0 : i32
        %dma_start3A_785 = arith.constant 0 : i32
        %dma_start3A_786 = tpu.memref_slice %arg3[%dma_start3A_784, %dma_start3A_785] : memref<1000000x64xf32, #tpu.memory_space<hbm>> -> memref<1000000x64xf32, #tpu.memory_space<hbm>>
        %dma_start3A_787 = tpu.memref_slice %arg7[%dma_start3A_776] : memref<2x!tpu.dma_semaphore, #tpu.memory_space<semaphore_mem>> -> memref<1x!tpu.dma_semaphore, #tpu.memory_space<semaphore_mem>>
        %dma_start3A_788 = tpu.memref_squeeze %dma_start3A_787 : memref<1x!tpu.dma_semaphore, #tpu.memory_space<semaphore_mem>> -> memref<!tpu.dma_semaphore, #tpu.memory_space<semaphore_mem>>
        tpu.enqueue_indirect_dma source(%dma_start3A_786 : memref<1000000x64xf32, #tpu.memory_space<hbm>>) target(%dma_start3A_780 : memref<96x64xf32, #tpu.memory_space<vmem>>) offsets(%dma_start3A_783 : memref<96xi32, #tpu.memory_space<vmem>>) semaphore(%dma_start3A_788 : memref<!tpu.dma_semaphore, #tpu.memory_space<semaphore_mem>>)
        %dma_start3A_789 = arith.constant 0 : i32
        %dma_start3A_790 = arith.constant 3 : i32
        %dma_start3A_791 = arith.constant 0 : i32
        %dma_start3A_792 = arith.constant 3 : i32
        %dma_start3A_793 = arith.constant 0 : i32
        %dma_start3A_794 = arith.constant 0 : i32
        %dma_start3A_795 = arith.constant 0 : i32
        %dma_start3A_796 = tpu.memref_slice %arg6[%dma_start3A_791, %dma_start3A_792, %dma_start3A_794, %dma_start3A_795] : memref<2x4x200x64xf32, #tpu.memory_space<vmem>> -> memref<1x1x104x64xf32, #tpu.memory_space<vmem>>
        %dma_start3A_797 = tpu.memref_squeeze %dma_start3A_796 : memref<1x1x104x64xf32, #tpu.memory_space<vmem>> -> memref<104x64xf32, #tpu.memory_space<vmem>>
        %dma_start3A_798 = arith.constant 0 : i32
        %dma_start3A_799 = tpu.memref_slice %arg5[%dma_start3A_789, %dma_start3A_790, %dma_start3A_798] : memref<2x4x200xi32, #tpu.memory_space<vmem>> -> memref<1x1x104xi32, #tpu.memory_space<vmem>>
        %dma_start3A_800 = tpu.memref_squeeze %dma_start3A_799 : memref<1x1x104xi32, #tpu.memory_space<vmem>> -> memref<104xi32, #tpu.memory_space<vmem>>
        %dma_start3A_801 = arith.constant 0 : i32
        %dma_start3A_802 = arith.constant 0 : i32
        %dma_start3A_803 = tpu.memref_slice %arg3[%dma_start3A_801, %dma_start3A_802] : memref<1000000x64xf32, #tpu.memory_space<hbm>> -> memref<1000000x64xf32, #tpu.memory_space<hbm>>
        %dma_start3A_804 = tpu.memref_slice %arg7[%dma_start3A_793] : memref<2x!tpu.dma_semaphore, #tpu.memory_space<semaphore_mem>> -> memref<1x!tpu.dma_semaphore, #tpu.memory_space<semaphore_mem>>
        %dma_start3A_805 = tpu.memref_squeeze %dma_start3A_804 : memref<1x!tpu.dma_semaphore, #tpu.memory_space<semaphore_mem>> -> memref<!tpu.dma_semaphore, #tpu.memory_space<semaphore_mem>>
        tpu.enqueue_indirect_dma source(%dma_start3A_803 : memref<1000000x64xf32, #tpu.memory_space<hbm>>) target(%dma_start3A_797 : memref<104x64xf32, #tpu.memory_space<vmem>>) offsets(%dma_start3A_800 : memref<104xi32, #tpu.memory_space<vmem>>) semaphore(%dma_start3A_805 : memref<!tpu.dma_semaphore, #tpu.memory_space<semaphore_mem>>)
        %dma_start3A_806 = arith.constant 0 : i32
        %dma_start3A_807 = arith.constant 3 : i32
        %dma_start3A_808 = arith.constant 0 : i32
        %dma_start3A_809 = arith.constant 3 : i32
        %dma_start3A_810 = arith.constant 0 : i32
        %dma_start3A_811 = arith.constant 104 : i32
        %dma_start3A_812 = arith.constant 0 : i32
        %dma_start3A_813 = tpu.memref_slice %arg6[%dma_start3A_808, %dma_start3A_809, %dma_start3A_811, %dma_start3A_812] : memref<2x4x200x64xf32, #tpu.memory_space<vmem>> -> memref<1x1x96x64xf32, #tpu.memory_space<vmem>>
        %dma_start3A_814 = tpu.memref_squeeze %dma_start3A_813 : memref<1x1x96x64xf32, #tpu.memory_space<vmem>> -> memref<96x64xf32, #tpu.memory_space<vmem>>
        %dma_start3A_815 = arith.constant 104 : i32
        %dma_start3A_816 = tpu.memref_slice %arg5[%dma_start3A_806, %dma_start3A_807, %dma_start3A_815] : memref<2x4x200xi32, #tpu.memory_space<vmem>> -> memref<1x1x96xi32, #tpu.memory_space<vmem>>
        %dma_start3A_817 = tpu.memref_squeeze %dma_start3A_816 : memref<1x1x96xi32, #tpu.memory_space<vmem>> -> memref<96xi32, #tpu.memory_space<vmem>>
        %dma_start3A_818 = arith.constant 0 : i32
        %dma_start3A_819 = arith.constant 0 : i32
        %dma_start3A_820 = tpu.memref_slice %arg3[%dma_start3A_818, %dma_start3A_819] : memref<1000000x64xf32, #tpu.memory_space<hbm>> -> memref<1000000x64xf32, #tpu.memory_space<hbm>>
        %dma_start3A_821 = tpu.memref_slice %arg7[%dma_start3A_810] : memref<2x!tpu.dma_semaphore, #tpu.memory_space<semaphore_mem>> -> memref<1x!tpu.dma_semaphore, #tpu.memory_space<semaphore_mem>>
        %dma_start3A_822 = tpu.memref_squeeze %dma_start3A_821 : memref<1x!tpu.dma_semaphore, #tpu.memory_space<semaphore_mem>> -> memref<!tpu.dma_semaphore, #tpu.memory_space<semaphore_mem>>
        tpu.enqueue_indirect_dma source(%dma_start3A_820 : memref<1000000x64xf32, #tpu.memory_space<hbm>>) target(%dma_start3A_814 : memref<96x64xf32, #tpu.memory_space<vmem>>) offsets(%dma_start3A_817 : memref<96xi32, #tpu.memory_space<vmem>>) semaphore(%dma_start3A_822 : memref<!tpu.dma_semaphore, #tpu.memory_space<semaphore_mem>>)
      } else {
      }
      %add3A_493 = arith.constant 1 : i32
      %add3A_494 = arith.addi %mul3A_325, %add3A_493 : i32
      %dma_wait3A_495 = arith.constant 1 : i32
      %dma_wait3A_496 = arith.constant 0 : i32
      %dma_wait3A_497 = arith.constant 1 : i32
      %dma_wait3A_498 = arith.constant 0 : i32
      %dma_wait3A_499 = arith.constant 1 : i32
      %dma_wait3A_500 = arith.constant 0 : i32
      %dma_wait3A_501 = arith.constant 0 : i32
      %dma_wait3A_502 = tpu.memref_slice %arg6[%dma_wait3A_497, %dma_wait3A_498, %dma_wait3A_500, %dma_wait3A_501] : memref<2x4x200x64xf32, #tpu.memory_space<vmem>> -> memref<1x1x104x64xf32, #tpu.memory_space<vmem>>
      %dma_wait3A_503 = tpu.memref_squeeze %dma_wait3A_502 : memref<1x1x104x64xf32, #tpu.memory_space<vmem>> -> memref<104x64xf32, #tpu.memory_space<vmem>>
      %dma_wait3A_504 = arith.constant 0 : i32
      %dma_wait3A_505 = tpu.memref_slice %arg5[%dma_wait3A_495, %dma_wait3A_496, %dma_wait3A_504] : memref<2x4x200xi32, #tpu.memory_space<vmem>> -> memref<1x1x104xi32, #tpu.memory_space<vmem>>
      %dma_wait3A_506 = tpu.memref_squeeze %dma_wait3A_505 : memref<1x1x104xi32, #tpu.memory_space<vmem>> -> memref<104xi32, #tpu.memory_space<vmem>>
      %dma_wait3A_507 = arith.constant 0 : i32
      %dma_wait3A_508 = arith.constant 0 : i32
      %dma_wait3A_509 = tpu.memref_slice %arg3[%dma_wait3A_507, %dma_wait3A_508] : memref<1000000x64xf32, #tpu.memory_space<hbm>> -> memref<1000000x64xf32, #tpu.memory_space<hbm>>
      %dma_wait3A_510 = tpu.memref_slice %arg7[%dma_wait3A_499] : memref<2x!tpu.dma_semaphore, #tpu.memory_space<semaphore_mem>> -> memref<1x!tpu.dma_semaphore, #tpu.memory_space<semaphore_mem>>
      %dma_wait3A_511 = tpu.memref_squeeze %dma_wait3A_510 : memref<1x!tpu.dma_semaphore, #tpu.memory_space<semaphore_mem>> -> memref<!tpu.dma_semaphore, #tpu.memory_space<semaphore_mem>>
      tpu.wait_indirect_dma semaphore(%dma_wait3A_511 : memref<!tpu.dma_semaphore, #tpu.memory_space<semaphore_mem>>) src(%dma_wait3A_509 : memref<1000000x64xf32, #tpu.memory_space<hbm>>) dst(%dma_wait3A_503 : memref<104x64xf32, #tpu.memory_space<vmem>>)
      %dma_wait3A_512 = arith.constant 1 : i32
      %dma_wait3A_513 = arith.constant 0 : i32
      %dma_wait3A_514 = arith.constant 1 : i32
      %dma_wait3A_515 = arith.constant 0 : i32
      %dma_wait3A_516 = arith.constant 1 : i32
      %dma_wait3A_517 = arith.constant 104 : i32
      %dma_wait3A_518 = arith.constant 0 : i32
      %dma_wait3A_519 = tpu.memref_slice %arg6[%dma_wait3A_514, %dma_wait3A_515, %dma_wait3A_517, %dma_wait3A_518] : memref<2x4x200x64xf32, #tpu.memory_space<vmem>> -> memref<1x1x96x64xf32, #tpu.memory_space<vmem>>
      %dma_wait3A_520 = tpu.memref_squeeze %dma_wait3A_519 : memref<1x1x96x64xf32, #tpu.memory_space<vmem>> -> memref<96x64xf32, #tpu.memory_space<vmem>>
      %dma_wait3A_521 = arith.constant 104 : i32
      %dma_wait3A_522 = tpu.memref_slice %arg5[%dma_wait3A_512, %dma_wait3A_513, %dma_wait3A_521] : memref<2x4x200xi32, #tpu.memory_space<vmem>> -> memref<1x1x96xi32, #tpu.memory_space<vmem>>
      %dma_wait3A_523 = tpu.memref_squeeze %dma_wait3A_522 : memref<1x1x96xi32, #tpu.memory_space<vmem>> -> memref<96xi32, #tpu.memory_space<vmem>>
      %dma_wait3A_524 = arith.constant 0 : i32
      %dma_wait3A_525 = arith.constant 0 : i32
      %dma_wait3A_526 = tpu.memref_slice %arg3[%dma_wait3A_524, %dma_wait3A_525] : memref<1000000x64xf32, #tpu.memory_space<hbm>> -> memref<1000000x64xf32, #tpu.memory_space<hbm>>
      %dma_wait3A_527 = tpu.memref_slice %arg7[%dma_wait3A_516] : memref<2x!tpu.dma_semaphore, #tpu.memory_space<semaphore_mem>> -> memref<1x!tpu.dma_semaphore, #tpu.memory_space<semaphore_mem>>
      %dma_wait3A_528 = tpu.memref_squeeze %dma_wait3A_527 : memref<1x!tpu.dma_semaphore, #tpu.memory_space<semaphore_mem>> -> memref<!tpu.dma_semaphore, #tpu.memory_space<semaphore_mem>>
      tpu.wait_indirect_dma semaphore(%dma_wait3A_528 : memref<!tpu.dma_semaphore, #tpu.memory_space<semaphore_mem>>) src(%dma_wait3A_526 : memref<1000000x64xf32, #tpu.memory_space<hbm>>) dst(%dma_wait3A_520 : memref<96x64xf32, #tpu.memory_space<vmem>>)
      %dma_wait3A_529 = arith.constant 1 : i32
      %dma_wait3A_530 = arith.constant 1 : i32
      %dma_wait3A_531 = arith.constant 1 : i32
      %dma_wait3A_532 = arith.constant 1 : i32
      %dma_wait3A_533 = arith.constant 1 : i32
      %dma_wait3A_534 = arith.constant 0 : i32
      %dma_wait3A_535 = arith.constant 0 : i32
      %dma_wait3A_536 = tpu.memref_slice %arg6[%dma_wait3A_531, %dma_wait3A_532, %dma_wait3A_534, %dma_wait3A_535] : memref<2x4x200x64xf32, #tpu.memory_space<vmem>> -> memref<1x1x104x64xf32, #tpu.memory_space<vmem>>
      %dma_wait3A_537 = tpu.memref_squeeze %dma_wait3A_536 : memref<1x1x104x64xf32, #tpu.memory_space<vmem>> -> memref<104x64xf32, #tpu.memory_space<vmem>>
      %dma_wait3A_538 = arith.constant 0 : i32
      %dma_wait3A_539 = tpu.memref_slice %arg5[%dma_wait3A_529, %dma_wait3A_530, %dma_wait3A_538] : memref<2x4x200xi32, #tpu.memory_space<vmem>> -> memref<1x1x104xi32, #tpu.memory_space<vmem>>
      %dma_wait3A_540 = tpu.memref_squeeze %dma_wait3A_539 : memref<1x1x104xi32, #tpu.memory_space<vmem>> -> memref<104xi32, #tpu.memory_space<vmem>>
      %dma_wait3A_541 = arith.constant 0 : i32
      %dma_wait3A_542 = arith.constant 0 : i32
      %dma_wait3A_543 = tpu.memref_slice %arg3[%dma_wait3A_541, %dma_wait3A_542] : memref<1000000x64xf32, #tpu.memory_space<hbm>> -> memref<1000000x64xf32, #tpu.memory_space<hbm>>
      %dma_wait3A_544 = tpu.memref_slice %arg7[%dma_wait3A_533] : memref<2x!tpu.dma_semaphore, #tpu.memory_space<semaphore_mem>> -> memref<1x!tpu.dma_semaphore, #tpu.memory_space<semaphore_mem>>
      %dma_wait3A_545 = tpu.memref_squeeze %dma_wait3A_544 : memref<1x!tpu.dma_semaphore, #tpu.memory_space<semaphore_mem>> -> memref<!tpu.dma_semaphore, #tpu.memory_space<semaphore_mem>>
      tpu.wait_indirect_dma semaphore(%dma_wait3A_545 : memref<!tpu.dma_semaphore, #tpu.memory_space<semaphore_mem>>) src(%dma_wait3A_543 : memref<1000000x64xf32, #tpu.memory_space<hbm>>) dst(%dma_wait3A_537 : memref<104x64xf32, #tpu.memory_space<vmem>>)
      %dma_wait3A_546 = arith.constant 1 : i32
      %dma_wait3A_547 = arith.constant 1 : i32
      %dma_wait3A_548 = arith.constant 1 : i32
      %dma_wait3A_549 = arith.constant 1 : i32
      %dma_wait3A_550 = arith.constant 1 : i32
      %dma_wait3A_551 = arith.constant 104 : i32
      %dma_wait3A_552 = arith.constant 0 : i32
      %dma_wait3A_553 = tpu.memref_slice %arg6[%dma_wait3A_548, %dma_wait3A_549, %dma_wait3A_551, %dma_wait3A_552] : memref<2x4x200x64xf32, #tpu.memory_space<vmem>> -> memref<1x1x96x64xf32, #tpu.memory_space<vmem>>
      %dma_wait3A_554 = tpu.memref_squeeze %dma_wait3A_553 : memref<1x1x96x64xf32, #tpu.memory_space<vmem>> -> memref<96x64xf32, #tpu.memory_space<vmem>>
      %dma_wait3A_555 = arith.constant 104 : i32
      %dma_wait3A_556 = tpu.memref_slice %arg5[%dma_wait3A_546, %dma_wait3A_547, %dma_wait3A_555] : memref<2x4x200xi32, #tpu.memory_space<vmem>> -> memref<1x1x96xi32, #tpu.memory_space<vmem>>
      %dma_wait3A_557 = tpu.memref_squeeze %dma_wait3A_556 : memref<1x1x96xi32, #tpu.memory_space<vmem>> -> memref<96xi32, #tpu.memory_space<vmem>>
      %dma_wait3A_558 = arith.constant 0 : i32
      %dma_wait3A_559 = arith.constant 0 : i32
      %dma_wait3A_560 = tpu.memref_slice %arg3[%dma_wait3A_558, %dma_wait3A_559] : memref<1000000x64xf32, #tpu.memory_space<hbm>> -> memref<1000000x64xf32, #tpu.memory_space<hbm>>
      %dma_wait3A_561 = tpu.memref_slice %arg7[%dma_wait3A_550] : memref<2x!tpu.dma_semaphore, #tpu.memory_space<semaphore_mem>> -> memref<1x!tpu.dma_semaphore, #tpu.memory_space<semaphore_mem>>
      %dma_wait3A_562 = tpu.memref_squeeze %dma_wait3A_561 : memref<1x!tpu.dma_semaphore, #tpu.memory_space<semaphore_mem>> -> memref<!tpu.dma_semaphore, #tpu.memory_space<semaphore_mem>>
      tpu.wait_indirect_dma semaphore(%dma_wait3A_562 : memref<!tpu.dma_semaphore, #tpu.memory_space<semaphore_mem>>) src(%dma_wait3A_560 : memref<1000000x64xf32, #tpu.memory_space<hbm>>) dst(%dma_wait3A_554 : memref<96x64xf32, #tpu.memory_space<vmem>>)
      %dma_wait3A_563 = arith.constant 1 : i32
      %dma_wait3A_564 = arith.constant 2 : i32
      %dma_wait3A_565 = arith.constant 1 : i32
      %dma_wait3A_566 = arith.constant 2 : i32
      %dma_wait3A_567 = arith.constant 1 : i32
      %dma_wait3A_568 = arith.constant 0 : i32
      %dma_wait3A_569 = arith.constant 0 : i32
      %dma_wait3A_570 = tpu.memref_slice %arg6[%dma_wait3A_565, %dma_wait3A_566, %dma_wait3A_568, %dma_wait3A_569] : memref<2x4x200x64xf32, #tpu.memory_space<vmem>> -> memref<1x1x104x64xf32, #tpu.memory_space<vmem>>
      %dma_wait3A_571 = tpu.memref_squeeze %dma_wait3A_570 : memref<1x1x104x64xf32, #tpu.memory_space<vmem>> -> memref<104x64xf32, #tpu.memory_space<vmem>>
      %dma_wait3A_572 = arith.constant 0 : i32
      %dma_wait3A_573 = tpu.memref_slice %arg5[%dma_wait3A_563, %dma_wait3A_564, %dma_wait3A_572] : memref<2x4x200xi32, #tpu.memory_space<vmem>> -> memref<1x1x104xi32, #tpu.memory_space<vmem>>
      %dma_wait3A_574 = tpu.memref_squeeze %dma_wait3A_573 : memref<1x1x104xi32, #tpu.memory_space<vmem>> -> memref<104xi32, #tpu.memory_space<vmem>>
      %dma_wait3A_575 = arith.constant 0 : i32
      %dma_wait3A_576 = arith.constant 0 : i32
      %dma_wait3A_577 = tpu.memref_slice %arg3[%dma_wait3A_575, %dma_wait3A_576] : memref<1000000x64xf32, #tpu.memory_space<hbm>> -> memref<1000000x64xf32, #tpu.memory_space<hbm>>
      %dma_wait3A_578 = tpu.memref_slice %arg7[%dma_wait3A_567] : memref<2x!tpu.dma_semaphore, #tpu.memory_space<semaphore_mem>> -> memref<1x!tpu.dma_semaphore, #tpu.memory_space<semaphore_mem>>
      %dma_wait3A_579 = tpu.memref_squeeze %dma_wait3A_578 : memref<1x!tpu.dma_semaphore, #tpu.memory_space<semaphore_mem>> -> memref<!tpu.dma_semaphore, #tpu.memory_space<semaphore_mem>>
      tpu.wait_indirect_dma semaphore(%dma_wait3A_579 : memref<!tpu.dma_semaphore, #tpu.memory_space<semaphore_mem>>) src(%dma_wait3A_577 : memref<1000000x64xf32, #tpu.memory_space<hbm>>) dst(%dma_wait3A_571 : memref<104x64xf32, #tpu.memory_space<vmem>>)
      %dma_wait3A_580 = arith.constant 1 : i32
      %dma_wait3A_581 = arith.constant 2 : i32
      %dma_wait3A_582 = arith.constant 1 : i32
      %dma_wait3A_583 = arith.constant 2 : i32
      %dma_wait3A_584 = arith.constant 1 : i32
      %dma_wait3A_585 = arith.constant 104 : i32
      %dma_wait3A_586 = arith.constant 0 : i32
      %dma_wait3A_587 = tpu.memref_slice %arg6[%dma_wait3A_582, %dma_wait3A_583, %dma_wait3A_585, %dma_wait3A_586] : memref<2x4x200x64xf32, #tpu.memory_space<vmem>> -> memref<1x1x96x64xf32, #tpu.memory_space<vmem>>
      %dma_wait3A_588 = tpu.memref_squeeze %dma_wait3A_587 : memref<1x1x96x64xf32, #tpu.memory_space<vmem>> -> memref<96x64xf32, #tpu.memory_space<vmem>>
      %dma_wait3A_589 = arith.constant 104 : i32
      %dma_wait3A_590 = tpu.memref_slice %arg5[%dma_wait3A_580, %dma_wait3A_581, %dma_wait3A_589] : memref<2x4x200xi32, #tpu.memory_space<vmem>> -> memref<1x1x96xi32, #tpu.memory_space<vmem>>
      %dma_wait3A_591 = tpu.memref_squeeze %dma_wait3A_590 : memref<1x1x96xi32, #tpu.memory_space<vmem>> -> memref<96xi32, #tpu.memory_space<vmem>>
      %dma_wait3A_592 = arith.constant 0 : i32
      %dma_wait3A_593 = arith.constant 0 : i32
      %dma_wait3A_594 = tpu.memref_slice %arg3[%dma_wait3A_592, %dma_wait3A_593] : memref<1000000x64xf32, #tpu.memory_space<hbm>> -> memref<1000000x64xf32, #tpu.memory_space<hbm>>
      %dma_wait3A_595 = tpu.memref_slice %arg7[%dma_wait3A_584] : memref<2x!tpu.dma_semaphore, #tpu.memory_space<semaphore_mem>> -> memref<1x!tpu.dma_semaphore, #tpu.memory_space<semaphore_mem>>
      %dma_wait3A_596 = tpu.memref_squeeze %dma_wait3A_595 : memref<1x!tpu.dma_semaphore, #tpu.memory_space<semaphore_mem>> -> memref<!tpu.dma_semaphore, #tpu.memory_space<semaphore_mem>>
      tpu.wait_indirect_dma semaphore(%dma_wait3A_596 : memref<!tpu.dma_semaphore, #tpu.memory_space<semaphore_mem>>) src(%dma_wait3A_594 : memref<1000000x64xf32, #tpu.memory_space<hbm>>) dst(%dma_wait3A_588 : memref<96x64xf32, #tpu.memory_space<vmem>>)
      %dma_wait3A_597 = arith.constant 1 : i32
      %dma_wait3A_598 = arith.constant 3 : i32
      %dma_wait3A_599 = arith.constant 1 : i32
      %dma_wait3A_600 = arith.constant 3 : i32
      %dma_wait3A_601 = arith.constant 1 : i32
      %dma_wait3A_602 = arith.constant 0 : i32
      %dma_wait3A_603 = arith.constant 0 : i32
      %dma_wait3A_604 = tpu.memref_slice %arg6[%dma_wait3A_599, %dma_wait3A_600, %dma_wait3A_602, %dma_wait3A_603] : memref<2x4x200x64xf32, #tpu.memory_space<vmem>> -> memref<1x1x104x64xf32, #tpu.memory_space<vmem>>
      %dma_wait3A_605 = tpu.memref_squeeze %dma_wait3A_604 : memref<1x1x104x64xf32, #tpu.memory_space<vmem>> -> memref<104x64xf32, #tpu.memory_space<vmem>>
      %dma_wait3A_606 = arith.constant 0 : i32
      %dma_wait3A_607 = tpu.memref_slice %arg5[%dma_wait3A_597, %dma_wait3A_598, %dma_wait3A_606] : memref<2x4x200xi32, #tpu.memory_space<vmem>> -> memref<1x1x104xi32, #tpu.memory_space<vmem>>
      %dma_wait3A_608 = tpu.memref_squeeze %dma_wait3A_607 : memref<1x1x104xi32, #tpu.memory_space<vmem>> -> memref<104xi32, #tpu.memory_space<vmem>>
      %dma_wait3A_609 = arith.constant 0 : i32
      %dma_wait3A_610 = arith.constant 0 : i32
      %dma_wait3A_611 = tpu.memref_slice %arg3[%dma_wait3A_609, %dma_wait3A_610] : memref<1000000x64xf32, #tpu.memory_space<hbm>> -> memref<1000000x64xf32, #tpu.memory_space<hbm>>
      %dma_wait3A_612 = tpu.memref_slice %arg7[%dma_wait3A_601] : memref<2x!tpu.dma_semaphore, #tpu.memory_space<semaphore_mem>> -> memref<1x!tpu.dma_semaphore, #tpu.memory_space<semaphore_mem>>
      %dma_wait3A_613 = tpu.memref_squeeze %dma_wait3A_612 : memref<1x!tpu.dma_semaphore, #tpu.memory_space<semaphore_mem>> -> memref<!tpu.dma_semaphore, #tpu.memory_space<semaphore_mem>>
      tpu.wait_indirect_dma semaphore(%dma_wait3A_613 : memref<!tpu.dma_semaphore, #tpu.memory_space<semaphore_mem>>) src(%dma_wait3A_611 : memref<1000000x64xf32, #tpu.memory_space<hbm>>) dst(%dma_wait3A_605 : memref<104x64xf32, #tpu.memory_space<vmem>>)
      %dma_wait3A_614 = arith.constant 1 : i32
      %dma_wait3A_615 = arith.constant 3 : i32
      %dma_wait3A_616 = arith.constant 1 : i32
      %dma_wait3A_617 = arith.constant 3 : i32
      %dma_wait3A_618 = arith.constant 1 : i32
      %dma_wait3A_619 = arith.constant 104 : i32
      %dma_wait3A_620 = arith.constant 0 : i32
      %dma_wait3A_621 = tpu.memref_slice %arg6[%dma_wait3A_616, %dma_wait3A_617, %dma_wait3A_619, %dma_wait3A_620] : memref<2x4x200x64xf32, #tpu.memory_space<vmem>> -> memref<1x1x96x64xf32, #tpu.memory_space<vmem>>
      %dma_wait3A_622 = tpu.memref_squeeze %dma_wait3A_621 : memref<1x1x96x64xf32, #tpu.memory_space<vmem>> -> memref<96x64xf32, #tpu.memory_space<vmem>>
      %dma_wait3A_623 = arith.constant 104 : i32
      %dma_wait3A_624 = tpu.memref_slice %arg5[%dma_wait3A_614, %dma_wait3A_615, %dma_wait3A_623] : memref<2x4x200xi32, #tpu.memory_space<vmem>> -> memref<1x1x96xi32, #tpu.memory_space<vmem>>
      %dma_wait3A_625 = tpu.memref_squeeze %dma_wait3A_624 : memref<1x1x96xi32, #tpu.memory_space<vmem>> -> memref<96xi32, #tpu.memory_space<vmem>>
      %dma_wait3A_626 = arith.constant 0 : i32
      %dma_wait3A_627 = arith.constant 0 : i32
      %dma_wait3A_628 = tpu.memref_slice %arg3[%dma_wait3A_626, %dma_wait3A_627] : memref<1000000x64xf32, #tpu.memory_space<hbm>> -> memref<1000000x64xf32, #tpu.memory_space<hbm>>
      %dma_wait3A_629 = tpu.memref_slice %arg7[%dma_wait3A_618] : memref<2x!tpu.dma_semaphore, #tpu.memory_space<semaphore_mem>> -> memref<1x!tpu.dma_semaphore, #tpu.memory_space<semaphore_mem>>
      %dma_wait3A_630 = tpu.memref_squeeze %dma_wait3A_629 : memref<1x!tpu.dma_semaphore, #tpu.memory_space<semaphore_mem>> -> memref<!tpu.dma_semaphore, #tpu.memory_space<semaphore_mem>>
      tpu.wait_indirect_dma semaphore(%dma_wait3A_630 : memref<!tpu.dma_semaphore, #tpu.memory_space<semaphore_mem>>) src(%dma_wait3A_628 : memref<1000000x64xf32, #tpu.memory_space<hbm>>) dst(%dma_wait3A_622 : memref<96x64xf32, #tpu.memory_space<vmem>>)
      %mul3A_631 = arith.constant 4 : i32
      %mul3A_632 = arith.muli %add3A_494, %mul3A_631 : i32
      %add3A_633 = arith.addi %mul3A_2, %mul3A_632 : i32
      %dma_start3A_634 = arith.constant 1 : i32
      %dma_start3A_635 = arith.constant 1 : i32
      %dma_start3A_636 = arith.constant 0 : i32
      %dma_start3A_637 = arith.constant 0 : i32
      %dma_start3A_638 = arith.constant 0 : i32
      %dma_start3A_639 = tpu.memref_slice %arg6[%dma_start3A_634, %dma_start3A_636, %dma_start3A_637, %dma_start3A_638] : memref<2x4x200x64xf32, #tpu.memory_space<vmem>> -> memref<1x4x200x64xf32, #tpu.memory_space<vmem>>
      %dma_start3A_640 = tpu.memref_squeeze %dma_start3A_639 : memref<1x4x200x64xf32, #tpu.memory_space<vmem>> -> memref<4x200x64xf32, #tpu.memory_space<vmem>>
      %dma_start3A_641 = arith.constant 0 : i32
      %dma_start3A_642 = arith.constant 0 : i32
      %dma_start3A_643 = tpu.memref_slice %arg4[%add3A_633, %dma_start3A_641, %dma_start3A_642] : memref<4096x200x128xf32, #tpu.memory_space<hbm>> -> memref<4x200x64xf32, #tpu.memory_space<hbm>>
      %dma_start3A_644 = tpu.memref_slice %arg8[%dma_start3A_635] : memref<2x!tpu.dma_semaphore, #tpu.memory_space<semaphore_mem>> -> memref<1x!tpu.dma_semaphore, #tpu.memory_space<semaphore_mem>>
      %dma_start3A_645 = tpu.memref_squeeze %dma_start3A_644 : memref<1x!tpu.dma_semaphore, #tpu.memory_space<semaphore_mem>> -> memref<!tpu.dma_semaphore, #tpu.memory_space<semaphore_mem>>
      %dma_start3A_646 = arith.constant 0 : i32
      %dma_start3A_647 = arith.constant 0 : i32
      %dma_start3A_648 = tpu.memref_slice %arg4[%add3A_633, %dma_start3A_646, %dma_start3A_647] : memref<4096x200x128xf32, #tpu.memory_space<hbm>> -> memref<4x200x64xf32, #tpu.memory_space<hbm>>
      %dma_start3A_649 = arith.constant 0 : i32
      %dma_start3A_650 = arith.constant 0 : i32
      %dma_start3A_651 = arith.constant 0 : i32
      %dma_start3A_652 = tpu.memref_slice %arg6[%dma_start3A_634, %dma_start3A_649, %dma_start3A_650, %dma_start3A_651] : memref<2x4x200x64xf32, #tpu.memory_space<vmem>> -> memref<1x4x200x64xf32, #tpu.memory_space<vmem>>
      %dma_start3A_653 = tpu.memref_squeeze %dma_start3A_652 : memref<1x4x200x64xf32, #tpu.memory_space<vmem>> -> memref<4x200x64xf32, #tpu.memory_space<vmem>>
      tpu.enqueue_dma source(%dma_start3A_653 : memref<4x200x64xf32, #tpu.memory_space<vmem>>) target(%dma_start3A_648 : memref<4x200x64xf32, #tpu.memory_space<hbm>>) target_semaphore(%dma_start3A_645 : memref<!tpu.dma_semaphore, #tpu.memory_space<semaphore_mem>>)
      %add3A_654 = arith.constant 1 : i32
      %add3A_655 = arith.addi %mul3A_325, %add3A_654 : i32
      %add3A_656 = arith.constant 2 : i32
      %add3A_657 = arith.addi %add3A_655, %add3A_656 : i32
      %lt3A_658 = arith.constant 32 : i32
      %lt3A_659 = arith.cmpi slt, %add3A_657, %lt3A_658 : i32
      %convert_element_type3A_660 = arith.extui %lt3A_659 : i1 to i32
      %cond3A_661 = arith.constant 0 : i32
      %cond3A_662 = arith.cmpi ne, %convert_element_type3A_660, %cond3A_661 : i32
      scf.if %cond3A_662 {
        %dma_wait3A_663 = arith.constant 1 : i32
        %dma_wait3A_664 = arith.constant 1 : i32
        %dma_wait3A_665 = arith.constant 0 : i32
        %dma_wait3A_666 = arith.constant 0 : i32
        %dma_wait3A_667 = arith.constant 0 : i32
        %dma_wait3A_668 = tpu.memref_slice %arg6[%dma_wait3A_663, %dma_wait3A_665, %dma_wait3A_666, %dma_wait3A_667] : memref<2x4x200x64xf32, #tpu.memory_space<vmem>> -> memref<1x4x200x64xf32, #tpu.memory_space<vmem>>
        %dma_wait3A_669 = tpu.memref_squeeze %dma_wait3A_668 : memref<1x4x200x64xf32, #tpu.memory_space<vmem>> -> memref<4x200x64xf32, #tpu.memory_space<vmem>>
        %dma_wait3A_670 = arith.constant 0 : i32
        %dma_wait3A_671 = arith.constant 0 : i32
        %dma_wait3A_672 = tpu.memref_slice %arg4[%mul3A_2, %dma_wait3A_670, %dma_wait3A_671] : memref<4096x200x128xf32, #tpu.memory_space<hbm>> -> memref<4x200x64xf32, #tpu.memory_space<hbm>>
        %dma_wait3A_673 = tpu.memref_slice %arg8[%dma_wait3A_664] : memref<2x!tpu.dma_semaphore, #tpu.memory_space<semaphore_mem>> -> memref<1x!tpu.dma_semaphore, #tpu.memory_space<semaphore_mem>>
        %dma_wait3A_674 = tpu.memref_squeeze %dma_wait3A_673 : memref<1x!tpu.dma_semaphore, #tpu.memory_space<semaphore_mem>> -> memref<!tpu.dma_semaphore, #tpu.memory_space<semaphore_mem>>
        %dma_wait3A_675 = arith.constant 0 : i32
        %dma_wait3A_676 = arith.constant 0 : i32
        %dma_wait3A_677 = tpu.memref_slice %arg4[%mul3A_2, %dma_wait3A_675, %dma_wait3A_676] : memref<4096x200x128xf32, #tpu.memory_space<hbm>> -> memref<4x200x64xf32, #tpu.memory_space<hbm>>
        %dma_wait3A_678 = arith.constant 0 : i32
        %dma_wait3A_679 = arith.constant 0 : i32
        %dma_wait3A_680 = arith.constant 0 : i32
        %dma_wait3A_681 = tpu.memref_slice %arg6[%dma_wait3A_663, %dma_wait3A_678, %dma_wait3A_679, %dma_wait3A_680] : memref<2x4x200x64xf32, #tpu.memory_space<vmem>> -> memref<1x4x200x64xf32, #tpu.memory_space<vmem>>
        %dma_wait3A_682 = tpu.memref_squeeze %dma_wait3A_681 : memref<1x4x200x64xf32, #tpu.memory_space<vmem>> -> memref<4x200x64xf32, #tpu.memory_space<vmem>>
        tpu.wait_dma2 semaphore(%dma_wait3A_674 : memref<!tpu.dma_semaphore, #tpu.memory_space<semaphore_mem>>) src(%dma_wait3A_682 : memref<4x200x64xf32, #tpu.memory_space<vmem>>) dst(%dma_wait3A_677 : memref<4x200x64xf32, #tpu.memory_space<hbm>>)
        %mul3A_683 = arith.constant 4 : i32
        %mul3A_684 = arith.muli %add3A_657, %mul3A_683 : i32
        %add3A_685 = arith.addi %mul3A_2, %mul3A_684 : i32
        %run_scoped3A_686 = arith.constant 1 : i32
        "tpu.region"() ({
          %run_scoped3A_823 = tpu.sem_alloc : memref<!tpu.dma_semaphore, #tpu.memory_space<semaphore_mem>>
          %dma_start3A_824 = arith.constant 0 : i32
          %dma_start3A_825 = arith.constant 0 : i32
          %dma_start3A_826 = tpu.memref_slice %arg5[%run_scoped3A_686, %dma_start3A_824, %dma_start3A_825] : memref<2x4x200xi32, #tpu.memory_space<vmem>> -> memref<1x4x200xi32, #tpu.memory_space<vmem>>
          %dma_start3A_827 = tpu.memref_squeeze %dma_start3A_826 : memref<1x4x200xi32, #tpu.memory_space<vmem>> -> memref<4x200xi32, #tpu.memory_space<vmem>>
          %dma_start3A_828 = arith.constant 0 : i32
          %dma_start3A_829 = tpu.memref_slice %arg2[%add3A_685, %dma_start3A_828] : memref<4096x200xi32, #tpu.memory_space<hbm>> -> memref<4x200xi32, #tpu.memory_space<hbm>>
          %dma_start3A_830 = arith.constant 0 : i32
          %dma_start3A_831 = arith.constant 0 : i32
          %dma_start3A_832 = tpu.memref_slice %arg5[%run_scoped3A_686, %dma_start3A_830, %dma_start3A_831] : memref<2x4x200xi32, #tpu.memory_space<vmem>> -> memref<1x4x200xi32, #tpu.memory_space<vmem>>
          %dma_start3A_833 = tpu.memref_squeeze %dma_start3A_832 : memref<1x4x200xi32, #tpu.memory_space<vmem>> -> memref<4x200xi32, #tpu.memory_space<vmem>>
          %dma_start3A_834 = arith.constant 0 : i32
          %dma_start3A_835 = tpu.memref_slice %arg2[%add3A_685, %dma_start3A_834] : memref<4096x200xi32, #tpu.memory_space<hbm>> -> memref<4x200xi32, #tpu.memory_space<hbm>>
          tpu.enqueue_dma source(%dma_start3A_835 : memref<4x200xi32, #tpu.memory_space<hbm>>) target(%dma_start3A_833 : memref<4x200xi32, #tpu.memory_space<vmem>>) target_semaphore(%run_scoped3A_823 : memref<!tpu.dma_semaphore, #tpu.memory_space<semaphore_mem>>)
          %dma_wait3A_836 = arith.constant 0 : i32
          %dma_wait3A_837 = arith.constant 0 : i32
          %dma_wait3A_838 = tpu.memref_slice %arg5[%run_scoped3A_686, %dma_wait3A_836, %dma_wait3A_837] : memref<2x4x200xi32, #tpu.memory_space<vmem>> -> memref<1x4x200xi32, #tpu.memory_space<vmem>>
          %dma_wait3A_839 = tpu.memref_squeeze %dma_wait3A_838 : memref<1x4x200xi32, #tpu.memory_space<vmem>> -> memref<4x200xi32, #tpu.memory_space<vmem>>
          %dma_wait3A_840 = arith.constant 0 : i32
          %dma_wait3A_841 = tpu.memref_slice %arg2[%add3A_685, %dma_wait3A_840] : memref<4096x200xi32, #tpu.memory_space<hbm>> -> memref<4x200xi32, #tpu.memory_space<hbm>>
          %dma_wait3A_842 = arith.constant 0 : i32
          %dma_wait3A_843 = arith.constant 0 : i32
          %dma_wait3A_844 = tpu.memref_slice %arg5[%run_scoped3A_686, %dma_wait3A_842, %dma_wait3A_843] : memref<2x4x200xi32, #tpu.memory_space<vmem>> -> memref<1x4x200xi32, #tpu.memory_space<vmem>>
          %dma_wait3A_845 = tpu.memref_squeeze %dma_wait3A_844 : memref<1x4x200xi32, #tpu.memory_space<vmem>> -> memref<4x200xi32, #tpu.memory_space<vmem>>
          %dma_wait3A_846 = arith.constant 0 : i32
          %dma_wait3A_847 = tpu.memref_slice %arg2[%add3A_685, %dma_wait3A_846] : memref<4096x200xi32, #tpu.memory_space<hbm>> -> memref<4x200xi32, #tpu.memory_space<hbm>>
          tpu.wait_dma2 semaphore(%run_scoped3A_823 : memref<!tpu.dma_semaphore, #tpu.memory_space<semaphore_mem>>) src(%dma_wait3A_847 : memref<4x200xi32, #tpu.memory_space<hbm>>) dst(%dma_wait3A_845 : memref<4x200xi32, #tpu.memory_space<vmem>>)
          tpu.yield
        }) : () -> ()
        %dma_start3A_687 = arith.constant 1 : i32
        %dma_start3A_688 = arith.constant 0 : i32
        %dma_start3A_689 = arith.constant 1 : i32
        %dma_start3A_690 = arith.constant 0 : i32
        %dma_start3A_691 = arith.constant 1 : i32
        %dma_start3A_692 = arith.constant 0 : i32
        %dma_start3A_693 = arith.constant 0 : i32
        %dma_start3A_694 = tpu.memref_slice %arg6[%dma_start3A_689, %dma_start3A_690, %dma_start3A_692, %dma_start3A_693] : memref<2x4x200x64xf32, #tpu.memory_space<vmem>> -> memref<1x1x104x64xf32, #tpu.memory_space<vmem>>
        %dma_start3A_695 = tpu.memref_squeeze %dma_start3A_694 : memref<1x1x104x64xf32, #tpu.memory_space<vmem>> -> memref<104x64xf32, #tpu.memory_space<vmem>>
        %dma_start3A_696 = arith.constant 0 : i32
        %dma_start3A_697 = tpu.memref_slice %arg5[%dma_start3A_687, %dma_start3A_688, %dma_start3A_696] : memref<2x4x200xi32, #tpu.memory_space<vmem>> -> memref<1x1x104xi32, #tpu.memory_space<vmem>>
        %dma_start3A_698 = tpu.memref_squeeze %dma_start3A_697 : memref<1x1x104xi32, #tpu.memory_space<vmem>> -> memref<104xi32, #tpu.memory_space<vmem>>
        %dma_start3A_699 = arith.constant 0 : i32
        %dma_start3A_700 = arith.constant 0 : i32
        %dma_start3A_701 = tpu.memref_slice %arg3[%dma_start3A_699, %dma_start3A_700] : memref<1000000x64xf32, #tpu.memory_space<hbm>> -> memref<1000000x64xf32, #tpu.memory_space<hbm>>
        %dma_start3A_702 = tpu.memref_slice %arg7[%dma_start3A_691] : memref<2x!tpu.dma_semaphore, #tpu.memory_space<semaphore_mem>> -> memref<1x!tpu.dma_semaphore, #tpu.memory_space<semaphore_mem>>
        %dma_start3A_703 = tpu.memref_squeeze %dma_start3A_702 : memref<1x!tpu.dma_semaphore, #tpu.memory_space<semaphore_mem>> -> memref<!tpu.dma_semaphore, #tpu.memory_space<semaphore_mem>>
        tpu.enqueue_indirect_dma source(%dma_start3A_701 : memref<1000000x64xf32, #tpu.memory_space<hbm>>) target(%dma_start3A_695 : memref<104x64xf32, #tpu.memory_space<vmem>>) offsets(%dma_start3A_698 : memref<104xi32, #tpu.memory_space<vmem>>) semaphore(%dma_start3A_703 : memref<!tpu.dma_semaphore, #tpu.memory_space<semaphore_mem>>)
        %dma_start3A_704 = arith.constant 1 : i32
        %dma_start3A_705 = arith.constant 0 : i32
        %dma_start3A_706 = arith.constant 1 : i32
        %dma_start3A_707 = arith.constant 0 : i32
        %dma_start3A_708 = arith.constant 1 : i32
        %dma_start3A_709 = arith.constant 104 : i32
        %dma_start3A_710 = arith.constant 0 : i32
        %dma_start3A_711 = tpu.memref_slice %arg6[%dma_start3A_706, %dma_start3A_707, %dma_start3A_709, %dma_start3A_710] : memref<2x4x200x64xf32, #tpu.memory_space<vmem>> -> memref<1x1x96x64xf32, #tpu.memory_space<vmem>>
        %dma_start3A_712 = tpu.memref_squeeze %dma_start3A_711 : memref<1x1x96x64xf32, #tpu.memory_space<vmem>> -> memref<96x64xf32, #tpu.memory_space<vmem>>
        %dma_start3A_713 = arith.constant 104 : i32
        %dma_start3A_714 = tpu.memref_slice %arg5[%dma_start3A_704, %dma_start3A_705, %dma_start3A_713] : memref<2x4x200xi32, #tpu.memory_space<vmem>> -> memref<1x1x96xi32, #tpu.memory_space<vmem>>
        %dma_start3A_715 = tpu.memref_squeeze %dma_start3A_714 : memref<1x1x96xi32, #tpu.memory_space<vmem>> -> memref<96xi32, #tpu.memory_space<vmem>>
        %dma_start3A_716 = arith.constant 0 : i32
        %dma_start3A_717 = arith.constant 0 : i32
        %dma_start3A_718 = tpu.memref_slice %arg3[%dma_start3A_716, %dma_start3A_717] : memref<1000000x64xf32, #tpu.memory_space<hbm>> -> memref<1000000x64xf32, #tpu.memory_space<hbm>>
        %dma_start3A_719 = tpu.memref_slice %arg7[%dma_start3A_708] : memref<2x!tpu.dma_semaphore, #tpu.memory_space<semaphore_mem>> -> memref<1x!tpu.dma_semaphore, #tpu.memory_space<semaphore_mem>>
        %dma_start3A_720 = tpu.memref_squeeze %dma_start3A_719 : memref<1x!tpu.dma_semaphore, #tpu.memory_space<semaphore_mem>> -> memref<!tpu.dma_semaphore, #tpu.memory_space<semaphore_mem>>
        tpu.enqueue_indirect_dma source(%dma_start3A_718 : memref<1000000x64xf32, #tpu.memory_space<hbm>>) target(%dma_start3A_712 : memref<96x64xf32, #tpu.memory_space<vmem>>) offsets(%dma_start3A_715 : memref<96xi32, #tpu.memory_space<vmem>>) semaphore(%dma_start3A_720 : memref<!tpu.dma_semaphore, #tpu.memory_space<semaphore_mem>>)
        %dma_start3A_721 = arith.constant 1 : i32
        %dma_start3A_722 = arith.constant 1 : i32
        %dma_start3A_723 = arith.constant 1 : i32
        %dma_start3A_724 = arith.constant 1 : i32
        %dma_start3A_725 = arith.constant 1 : i32
        %dma_start3A_726 = arith.constant 0 : i32
        %dma_start3A_727 = arith.constant 0 : i32
        %dma_start3A_728 = tpu.memref_slice %arg6[%dma_start3A_723, %dma_start3A_724, %dma_start3A_726, %dma_start3A_727] : memref<2x4x200x64xf32, #tpu.memory_space<vmem>> -> memref<1x1x104x64xf32, #tpu.memory_space<vmem>>
        %dma_start3A_729 = tpu.memref_squeeze %dma_start3A_728 : memref<1x1x104x64xf32, #tpu.memory_space<vmem>> -> memref<104x64xf32, #tpu.memory_space<vmem>>
        %dma_start3A_730 = arith.constant 0 : i32
        %dma_start3A_731 = tpu.memref_slice %arg5[%dma_start3A_721, %dma_start3A_722, %dma_start3A_730] : memref<2x4x200xi32, #tpu.memory_space<vmem>> -> memref<1x1x104xi32, #tpu.memory_space<vmem>>
        %dma_start3A_732 = tpu.memref_squeeze %dma_start3A_731 : memref<1x1x104xi32, #tpu.memory_space<vmem>> -> memref<104xi32, #tpu.memory_space<vmem>>
        %dma_start3A_733 = arith.constant 0 : i32
        %dma_start3A_734 = arith.constant 0 : i32
        %dma_start3A_735 = tpu.memref_slice %arg3[%dma_start3A_733, %dma_start3A_734] : memref<1000000x64xf32, #tpu.memory_space<hbm>> -> memref<1000000x64xf32, #tpu.memory_space<hbm>>
        %dma_start3A_736 = tpu.memref_slice %arg7[%dma_start3A_725] : memref<2x!tpu.dma_semaphore, #tpu.memory_space<semaphore_mem>> -> memref<1x!tpu.dma_semaphore, #tpu.memory_space<semaphore_mem>>
        %dma_start3A_737 = tpu.memref_squeeze %dma_start3A_736 : memref<1x!tpu.dma_semaphore, #tpu.memory_space<semaphore_mem>> -> memref<!tpu.dma_semaphore, #tpu.memory_space<semaphore_mem>>
        tpu.enqueue_indirect_dma source(%dma_start3A_735 : memref<1000000x64xf32, #tpu.memory_space<hbm>>) target(%dma_start3A_729 : memref<104x64xf32, #tpu.memory_space<vmem>>) offsets(%dma_start3A_732 : memref<104xi32, #tpu.memory_space<vmem>>) semaphore(%dma_start3A_737 : memref<!tpu.dma_semaphore, #tpu.memory_space<semaphore_mem>>)
        %dma_start3A_738 = arith.constant 1 : i32
        %dma_start3A_739 = arith.constant 1 : i32
        %dma_start3A_740 = arith.constant 1 : i32
        %dma_start3A_741 = arith.constant 1 : i32
        %dma_start3A_742 = arith.constant 1 : i32
        %dma_start3A_743 = arith.constant 104 : i32
        %dma_start3A_744 = arith.constant 0 : i32
        %dma_start3A_745 = tpu.memref_slice %arg6[%dma_start3A_740, %dma_start3A_741, %dma_start3A_743, %dma_start3A_744] : memref<2x4x200x64xf32, #tpu.memory_space<vmem>> -> memref<1x1x96x64xf32, #tpu.memory_space<vmem>>
        %dma_start3A_746 = tpu.memref_squeeze %dma_start3A_745 : memref<1x1x96x64xf32, #tpu.memory_space<vmem>> -> memref<96x64xf32, #tpu.memory_space<vmem>>
        %dma_start3A_747 = arith.constant 104 : i32
        %dma_start3A_748 = tpu.memref_slice %arg5[%dma_start3A_738, %dma_start3A_739, %dma_start3A_747] : memref<2x4x200xi32, #tpu.memory_space<vmem>> -> memref<1x1x96xi32, #tpu.memory_space<vmem>>
        %dma_start3A_749 = tpu.memref_squeeze %dma_start3A_748 : memref<1x1x96xi32, #tpu.memory_space<vmem>> -> memref<96xi32, #tpu.memory_space<vmem>>
        %dma_start3A_750 = arith.constant 0 : i32
        %dma_start3A_751 = arith.constant 0 : i32
        %dma_start3A_752 = tpu.memref_slice %arg3[%dma_start3A_750, %dma_start3A_751] : memref<1000000x64xf32, #tpu.memory_space<hbm>> -> memref<1000000x64xf32, #tpu.memory_space<hbm>>
        %dma_start3A_753 = tpu.memref_slice %arg7[%dma_start3A_742] : memref<2x!tpu.dma_semaphore, #tpu.memory_space<semaphore_mem>> -> memref<1x!tpu.dma_semaphore, #tpu.memory_space<semaphore_mem>>
        %dma_start3A_754 = tpu.memref_squeeze %dma_start3A_753 : memref<1x!tpu.dma_semaphore, #tpu.memory_space<semaphore_mem>> -> memref<!tpu.dma_semaphore, #tpu.memory_space<semaphore_mem>>
        tpu.enqueue_indirect_dma source(%dma_start3A_752 : memref<1000000x64xf32, #tpu.memory_space<hbm>>) target(%dma_start3A_746 : memref<96x64xf32, #tpu.memory_space<vmem>>) offsets(%dma_start3A_749 : memref<96xi32, #tpu.memory_space<vmem>>) semaphore(%dma_start3A_754 : memref<!tpu.dma_semaphore, #tpu.memory_space<semaphore_mem>>)
        %dma_start3A_755 = arith.constant 1 : i32
        %dma_start3A_756 = arith.constant 2 : i32
        %dma_start3A_757 = arith.constant 1 : i32
        %dma_start3A_758 = arith.constant 2 : i32
        %dma_start3A_759 = arith.constant 1 : i32
        %dma_start3A_760 = arith.constant 0 : i32
        %dma_start3A_761 = arith.constant 0 : i32
        %dma_start3A_762 = tpu.memref_slice %arg6[%dma_start3A_757, %dma_start3A_758, %dma_start3A_760, %dma_start3A_761] : memref<2x4x200x64xf32, #tpu.memory_space<vmem>> -> memref<1x1x104x64xf32, #tpu.memory_space<vmem>>
        %dma_start3A_763 = tpu.memref_squeeze %dma_start3A_762 : memref<1x1x104x64xf32, #tpu.memory_space<vmem>> -> memref<104x64xf32, #tpu.memory_space<vmem>>
        %dma_start3A_764 = arith.constant 0 : i32
        %dma_start3A_765 = tpu.memref_slice %arg5[%dma_start3A_755, %dma_start3A_756, %dma_start3A_764] : memref<2x4x200xi32, #tpu.memory_space<vmem>> -> memref<1x1x104xi32, #tpu.memory_space<vmem>>
        %dma_start3A_766 = tpu.memref_squeeze %dma_start3A_765 : memref<1x1x104xi32, #tpu.memory_space<vmem>> -> memref<104xi32, #tpu.memory_space<vmem>>
        %dma_start3A_767 = arith.constant 0 : i32
        %dma_start3A_768 = arith.constant 0 : i32
        %dma_start3A_769 = tpu.memref_slice %arg3[%dma_start3A_767, %dma_start3A_768] : memref<1000000x64xf32, #tpu.memory_space<hbm>> -> memref<1000000x64xf32, #tpu.memory_space<hbm>>
        %dma_start3A_770 = tpu.memref_slice %arg7[%dma_start3A_759] : memref<2x!tpu.dma_semaphore, #tpu.memory_space<semaphore_mem>> -> memref<1x!tpu.dma_semaphore, #tpu.memory_space<semaphore_mem>>
        %dma_start3A_771 = tpu.memref_squeeze %dma_start3A_770 : memref<1x!tpu.dma_semaphore, #tpu.memory_space<semaphore_mem>> -> memref<!tpu.dma_semaphore, #tpu.memory_space<semaphore_mem>>
        tpu.enqueue_indirect_dma source(%dma_start3A_769 : memref<1000000x64xf32, #tpu.memory_space<hbm>>) target(%dma_start3A_763 : memref<104x64xf32, #tpu.memory_space<vmem>>) offsets(%dma_start3A_766 : memref<104xi32, #tpu.memory_space<vmem>>) semaphore(%dma_start3A_771 : memref<!tpu.dma_semaphore, #tpu.memory_space<semaphore_mem>>)
        %dma_start3A_772 = arith.constant 1 : i32
        %dma_start3A_773 = arith.constant 2 : i32
        %dma_start3A_774 = arith.constant 1 : i32
        %dma_start3A_775 = arith.constant 2 : i32
        %dma_start3A_776 = arith.constant 1 : i32
        %dma_start3A_777 = arith.constant 104 : i32
        %dma_start3A_778 = arith.constant 0 : i32
        %dma_start3A_779 = tpu.memref_slice %arg6[%dma_start3A_774, %dma_start3A_775, %dma_start3A_777, %dma_start3A_778] : memref<2x4x200x64xf32, #tpu.memory_space<vmem>> -> memref<1x1x96x64xf32, #tpu.memory_space<vmem>>
        %dma_start3A_780 = tpu.memref_squeeze %dma_start3A_779 : memref<1x1x96x64xf32, #tpu.memory_space<vmem>> -> memref<96x64xf32, #tpu.memory_space<vmem>>
        %dma_start3A_781 = arith.constant 104 : i32
        %dma_start3A_782 = tpu.memref_slice %arg5[%dma_start3A_772, %dma_start3A_773, %dma_start3A_781] : memref<2x4x200xi32, #tpu.memory_space<vmem>> -> memref<1x1x96xi32, #tpu.memory_space<vmem>>
        %dma_start3A_783 = tpu.memref_squeeze %dma_start3A_782 : memref<1x1x96xi32, #tpu.memory_space<vmem>> -> memref<96xi32, #tpu.memory_space<vmem>>
        %dma_start3A_784 = arith.constant 0 : i32
        %dma_start3A_785 = arith.constant 0 : i32
        %dma_start3A_786 = tpu.memref_slice %arg3[%dma_start3A_784, %dma_start3A_785] : memref<1000000x64xf32, #tpu.memory_space<hbm>> -> memref<1000000x64xf32, #tpu.memory_space<hbm>>
        %dma_start3A_787 = tpu.memref_slice %arg7[%dma_start3A_776] : memref<2x!tpu.dma_semaphore, #tpu.memory_space<semaphore_mem>> -> memref<1x!tpu.dma_semaphore, #tpu.memory_space<semaphore_mem>>
        %dma_start3A_788 = tpu.memref_squeeze %dma_start3A_787 : memref<1x!tpu.dma_semaphore, #tpu.memory_space<semaphore_mem>> -> memref<!tpu.dma_semaphore, #tpu.memory_space<semaphore_mem>>
        tpu.enqueue_indirect_dma source(%dma_start3A_786 : memref<1000000x64xf32, #tpu.memory_space<hbm>>) target(%dma_start3A_780 : memref<96x64xf32, #tpu.memory_space<vmem>>) offsets(%dma_start3A_783 : memref<96xi32, #tpu.memory_space<vmem>>) semaphore(%dma_start3A_788 : memref<!tpu.dma_semaphore, #tpu.memory_space<semaphore_mem>>)
        %dma_start3A_789 = arith.constant 1 : i32
        %dma_start3A_790 = arith.constant 3 : i32
        %dma_start3A_791 = arith.constant 1 : i32
        %dma_start3A_792 = arith.constant 3 : i32
        %dma_start3A_793 = arith.constant 1 : i32
        %dma_start3A_794 = arith.constant 0 : i32
        %dma_start3A_795 = arith.constant 0 : i32
        %dma_start3A_796 = tpu.memref_slice %arg6[%dma_start3A_791, %dma_start3A_792, %dma_start3A_794, %dma_start3A_795] : memref<2x4x200x64xf32, #tpu.memory_space<vmem>> -> memref<1x1x104x64xf32, #tpu.memory_space<vmem>>
        %dma_start3A_797 = tpu.memref_squeeze %dma_start3A_796 : memref<1x1x104x64xf32, #tpu.memory_space<vmem>> -> memref<104x64xf32, #tpu.memory_space<vmem>>
        %dma_start3A_798 = arith.constant 0 : i32
        %dma_start3A_799 = tpu.memref_slice %arg5[%dma_start3A_789, %dma_start3A_790, %dma_start3A_798] : memref<2x4x200xi32, #tpu.memory_space<vmem>> -> memref<1x1x104xi32, #tpu.memory_space<vmem>>
        %dma_start3A_800 = tpu.memref_squeeze %dma_start3A_799 : memref<1x1x104xi32, #tpu.memory_space<vmem>> -> memref<104xi32, #tpu.memory_space<vmem>>
        %dma_start3A_801 = arith.constant 0 : i32
        %dma_start3A_802 = arith.constant 0 : i32
        %dma_start3A_803 = tpu.memref_slice %arg3[%dma_start3A_801, %dma_start3A_802] : memref<1000000x64xf32, #tpu.memory_space<hbm>> -> memref<1000000x64xf32, #tpu.memory_space<hbm>>
        %dma_start3A_804 = tpu.memref_slice %arg7[%dma_start3A_793] : memref<2x!tpu.dma_semaphore, #tpu.memory_space<semaphore_mem>> -> memref<1x!tpu.dma_semaphore, #tpu.memory_space<semaphore_mem>>
        %dma_start3A_805 = tpu.memref_squeeze %dma_start3A_804 : memref<1x!tpu.dma_semaphore, #tpu.memory_space<semaphore_mem>> -> memref<!tpu.dma_semaphore, #tpu.memory_space<semaphore_mem>>
        tpu.enqueue_indirect_dma source(%dma_start3A_803 : memref<1000000x64xf32, #tpu.memory_space<hbm>>) target(%dma_start3A_797 : memref<104x64xf32, #tpu.memory_space<vmem>>) offsets(%dma_start3A_800 : memref<104xi32, #tpu.memory_space<vmem>>) semaphore(%dma_start3A_805 : memref<!tpu.dma_semaphore, #tpu.memory_space<semaphore_mem>>)
        %dma_start3A_806 = arith.constant 1 : i32
        %dma_start3A_807 = arith.constant 3 : i32
        %dma_start3A_808 = arith.constant 1 : i32
        %dma_start3A_809 = arith.constant 3 : i32
        %dma_start3A_810 = arith.constant 1 : i32
        %dma_start3A_811 = arith.constant 104 : i32
        %dma_start3A_812 = arith.constant 0 : i32
        %dma_start3A_813 = tpu.memref_slice %arg6[%dma_start3A_808, %dma_start3A_809, %dma_start3A_811, %dma_start3A_812] : memref<2x4x200x64xf32, #tpu.memory_space<vmem>> -> memref<1x1x96x64xf32, #tpu.memory_space<vmem>>
        %dma_start3A_814 = tpu.memref_squeeze %dma_start3A_813 : memref<1x1x96x64xf32, #tpu.memory_space<vmem>> -> memref<96x64xf32, #tpu.memory_space<vmem>>
        %dma_start3A_815 = arith.constant 104 : i32
        %dma_start3A_816 = tpu.memref_slice %arg5[%dma_start3A_806, %dma_start3A_807, %dma_start3A_815] : memref<2x4x200xi32, #tpu.memory_space<vmem>> -> memref<1x1x96xi32, #tpu.memory_space<vmem>>
        %dma_start3A_817 = tpu.memref_squeeze %dma_start3A_816 : memref<1x1x96xi32, #tpu.memory_space<vmem>> -> memref<96xi32, #tpu.memory_space<vmem>>
        %dma_start3A_818 = arith.constant 0 : i32
        %dma_start3A_819 = arith.constant 0 : i32
        %dma_start3A_820 = tpu.memref_slice %arg3[%dma_start3A_818, %dma_start3A_819] : memref<1000000x64xf32, #tpu.memory_space<hbm>> -> memref<1000000x64xf32, #tpu.memory_space<hbm>>
        %dma_start3A_821 = tpu.memref_slice %arg7[%dma_start3A_810] : memref<2x!tpu.dma_semaphore, #tpu.memory_space<semaphore_mem>> -> memref<1x!tpu.dma_semaphore, #tpu.memory_space<semaphore_mem>>
        %dma_start3A_822 = tpu.memref_squeeze %dma_start3A_821 : memref<1x!tpu.dma_semaphore, #tpu.memory_space<semaphore_mem>> -> memref<!tpu.dma_semaphore, #tpu.memory_space<semaphore_mem>>
        tpu.enqueue_indirect_dma source(%dma_start3A_820 : memref<1000000x64xf32, #tpu.memory_space<hbm>>) target(%dma_start3A_814 : memref<96x64xf32, #tpu.memory_space<vmem>>) offsets(%dma_start3A_817 : memref<96xi32, #tpu.memory_space<vmem>>) semaphore(%dma_start3A_822 : memref<!tpu.dma_semaphore, #tpu.memory_space<semaphore_mem>>)
      } else {
      }
    }
    %scan3A_283 = arith.constant 16 : i32
    %dma_wait3A = arith.constant 0 : i32
    %dma_wait3A_284 = arith.constant 0 : i32
    %dma_wait3A_285 = arith.constant 0 : i32
    %dma_wait3A_286 = arith.constant 0 : i32
    %dma_wait3A_287 = arith.constant 0 : i32
    %dma_wait3A_288 = tpu.memref_slice %arg6[%dma_wait3A, %dma_wait3A_285, %dma_wait3A_286, %dma_wait3A_287] : memref<2x4x200x64xf32, #tpu.memory_space<vmem>> -> memref<1x4x200x64xf32, #tpu.memory_space<vmem>>
    %dma_wait3A_289 = tpu.memref_squeeze %dma_wait3A_288 : memref<1x4x200x64xf32, #tpu.memory_space<vmem>> -> memref<4x200x64xf32, #tpu.memory_space<vmem>>
    %dma_wait3A_290 = arith.constant 0 : i32
    %dma_wait3A_291 = arith.constant 0 : i32
    %dma_wait3A_292 = tpu.memref_slice %arg4[%mul3A_2, %dma_wait3A_290, %dma_wait3A_291] : memref<4096x200x128xf32, #tpu.memory_space<hbm>> -> memref<4x200x64xf32, #tpu.memory_space<hbm>>
    %dma_wait3A_293 = tpu.memref_slice %arg8[%dma_wait3A_284] : memref<2x!tpu.dma_semaphore, #tpu.memory_space<semaphore_mem>> -> memref<1x!tpu.dma_semaphore, #tpu.memory_space<semaphore_mem>>
    %dma_wait3A_294 = tpu.memref_squeeze %dma_wait3A_293 : memref<1x!tpu.dma_semaphore, #tpu.memory_space<semaphore_mem>> -> memref<!tpu.dma_semaphore, #tpu.memory_space<semaphore_mem>>
    %dma_wait3A_295 = arith.constant 0 : i32
    %dma_wait3A_296 = arith.constant 0 : i32
    %dma_wait3A_297 = tpu.memref_slice %arg4[%mul3A_2, %dma_wait3A_295, %dma_wait3A_296] : memref<4096x200x128xf32, #tpu.memory_space<hbm>> -> memref<4x200x64xf32, #tpu.memory_space<hbm>>
    %dma_wait3A_298 = arith.constant 0 : i32
    %dma_wait3A_299 = arith.constant 0 : i32
    %dma_wait3A_300 = arith.constant 0 : i32
    %dma_wait3A_301 = tpu.memref_slice %arg6[%dma_wait3A, %dma_wait3A_298, %dma_wait3A_299, %dma_wait3A_300] : memref<2x4x200x64xf32, #tpu.memory_space<vmem>> -> memref<1x4x200x64xf32, #tpu.memory_space<vmem>>
    %dma_wait3A_302 = tpu.memref_squeeze %dma_wait3A_301 : memref<1x4x200x64xf32, #tpu.memory_space<vmem>> -> memref<4x200x64xf32, #tpu.memory_space<vmem>>
    tpu.wait_dma2 semaphore(%dma_wait3A_294 : memref<!tpu.dma_semaphore, #tpu.memory_space<semaphore_mem>>) src(%dma_wait3A_302 : memref<4x200x64xf32, #tpu.memory_space<vmem>>) dst(%dma_wait3A_297 : memref<4x200x64xf32, #tpu.memory_space<hbm>>)
    %dma_wait3A_303 = arith.constant 1 : i32
    %dma_wait3A_304 = arith.constant 1 : i32
    %dma_wait3A_305 = arith.constant 0 : i32
    %dma_wait3A_306 = arith.constant 0 : i32
    %dma_wait3A_307 = arith.constant 0 : i32
    %dma_wait3A_308 = tpu.memref_slice %arg6[%dma_wait3A_303, %dma_wait3A_305, %dma_wait3A_306, %dma_wait3A_307] : memref<2x4x200x64xf32, #tpu.memory_space<vmem>> -> memref<1x4x200x64xf32, #tpu.memory_space<vmem>>
    %dma_wait3A_309 = tpu.memref_squeeze %dma_wait3A_308 : memref<1x4x200x64xf32, #tpu.memory_space<vmem>> -> memref<4x200x64xf32, #tpu.memory_space<vmem>>
    %dma_wait3A_310 = arith.constant 0 : i32
    %dma_wait3A_311 = arith.constant 0 : i32
    %dma_wait3A_312 = tpu.memref_slice %arg4[%mul3A_2, %dma_wait3A_310, %dma_wait3A_311] : memref<4096x200x128xf32, #tpu.memory_space<hbm>> -> memref<4x200x64xf32, #tpu.memory_space<hbm>>
    %dma_wait3A_313 = tpu.memref_slice %arg8[%dma_wait3A_304] : memref<2x!tpu.dma_semaphore, #tpu.memory_space<semaphore_mem>> -> memref<1x!tpu.dma_semaphore, #tpu.memory_space<semaphore_mem>>
    %dma_wait3A_314 = tpu.memref_squeeze %dma_wait3A_313 : memref<1x!tpu.dma_semaphore, #tpu.memory_space<semaphore_mem>> -> memref<!tpu.dma_semaphore, #tpu.memory_space<semaphore_mem>>
    %dma_wait3A_315 = arith.constant 0 : i32
    %dma_wait3A_316 = arith.constant 0 : i32
    %dma_wait3A_317 = tpu.memref_slice %arg4[%mul3A_2, %dma_wait3A_315, %dma_wait3A_316] : memref<4096x200x128xf32, #tpu.memory_space<hbm>> -> memref<4x200x64xf32, #tpu.memory_space<hbm>>
    %dma_wait3A_318 = arith.constant 0 : i32
    %dma_wait3A_319 = arith.constant 0 : i32
    %dma_wait3A_320 = arith.constant 0 : i32
    %dma_wait3A_321 = tpu.memref_slice %arg6[%dma_wait3A_303, %dma_wait3A_318, %dma_wait3A_319, %dma_wait3A_320] : memref<2x4x200x64xf32, #tpu.memory_space<vmem>> -> memref<1x4x200x64xf32, #tpu.memory_space<vmem>>
    %dma_wait3A_322 = tpu.memref_squeeze %dma_wait3A_321 : memref<1x4x200x64xf32, #tpu.memory_space<vmem>> -> memref<4x200x64xf32, #tpu.memory_space<vmem>>
    tpu.wait_dma2 semaphore(%dma_wait3A_314 : memref<!tpu.dma_semaphore, #tpu.memory_space<semaphore_mem>>) src(%dma_wait3A_322 : memref<4x200x64xf32, #tpu.memory_space<vmem>>) dst(%dma_wait3A_317 : memref<4x200x64xf32, #tpu.memory_space<hbm>>)
    return
  }
}

</mosaic_0001>

<sc_bundles>
// kernel: kernel.3.cloned.1.call-start
scs
__scs_entry_jumppad:
0x0: {  	(pc) =	sbr.rel $0x88, $3  }
0x1: {  	(tag) =	ssettag $0x0;
	lr =	simm.s32 $0x1  }
0x2: {  	[smem:$0x3F9F] =	sst lr;
	_ =	strace $0xD0000000  }
0x3: {  	_ = 	snop  }
0x4: {  	_ = 	snop  }
0x5: {  	_ = 	snop  }
0x6: {  	_ = 	snop  }
0x7: {  	_ = 	snop  }
__scs_overlays_trampoline_lowered:
0x8: {  	[smem:$0x3FAE] =	sst s0  }
0x9: {  	[smem:$0x3FAF] =	sst s1  }
0xa: {  	[smem:$0x3FB0] =	sst s2  }
0xb: {  	[smem:$0x3FB1] =	sst s3  }
0xc: {  	[smem:$0x3FB2] =	sst s4  }
0xd: {  	[smem:$0x3FB3] =	sst s5  }
0xe: {  	[smem:$0x3FB4] =	sst s6  }
0xf: {  	[smem:$0x3FB5] =	sst s7  }
0x10: {  	[smem:$0x3FB6] =	sst s8  }
0x11: {  	[smem:$0x3FB7] =	sst s9;
	s0 =	simm.s32 @!p0 $0x0  }
0x12: {  	s1 =	sld [smem:$0x3F9D];
	s0 =	simm.s32 @p0 $0x1  }
0x13: {  	[smem:$0x3FB8] =	sst s0;
	s0 =	simm.s32 @!p1 $0x0  }
0x14: {  	s2 =	sld [smem:$0x3F9C];
	s0 =	simm.s32 @p1 $0x1  }
0x15: {  	[smem:$0x3FB9] =	sst s0;
	s0 =	simm.s32 @!p2 $0x0  }
0x16: {  	s3 =	sld [smem:$0x3FDB];
	s0 =	simm.s32 @p2 $0x1  }
0x17: {  	s4 =	simm.s32 $0x1BF5;
	[smem:$0x3FBB] =	sst s0  }
0x18: {  	s0 =	sld [smem:$0x3F9E];
	_ =	swait.ge [sflag:s4], $0x0  }
0x19: {  	s7 =	sld [smem:$0x3F9F]  }
0x1a: {  	s8 =	sadd.s32 $0xFFFFE003, lr  }
0x1b: {  	s9 =	sadd.s32 $0xFFFFFEF7, lr;
	s5 =	simm.s32 $0xFFFFFFFF;
	p2 =	slt.u32 s8, $0xFFFFF086  }
0x1c: {  	p1 =	slt.u32 s9, $0xF7A;
	s5 =	simm.s32 @!p2 $0x0  }
0x1d: {  	s5 =	simm.s32 @p1 $0x1;
	p0 =	seq.s32 s7, s2  }
0x1e: {  	s7 =	smul.u32 @!p0 $0xF7A, s2;
	p2 =	seq.s32 @!p0 s5, $0x0  }
0x1f: {  	s9 =	smul.u32 $0xF7A, s1;
	s8 =	simm.s32 @!p0 $0x1BF5;
	p2 =	por !p2, p0  }
0x20: {  	[sflag:s8] =	ssyncset.s32 @!p0 $0xFFFFF086;
	s6 =	sadd.s32 @!p0 s3, s7;
	s7 =	simm.s32 @!p0 $0x108  }
0x21: {  	s3 =	sadd.s32 s3, s9;
	s6 =	sadd.s32 @!p0 $0x88, s6;
	s7 =	simm.s32 @p2 $0x1082  }
0x22: {  	[simem:s7], [sflag:s8] =	dma.local @!p0 [hbm:s6], $0xF7A  }
0x23: {  	s9 =	sor.u32 $0xD0000000, s2;
	s6 =	simm.s32 $0x108;
	_ =	swait.ge @!p0 [sflag:s8], $0x0  }
0x24: {  	s3 =	sadd.s32 $0x88, s3;
	s6 =	simm.s32 @!p1 $0x1082;
	[sflag:s4] =	ssyncset.s32 $0xFFFFF086  }
0x25: {  	[simem:s6], [sflag:s4] =	dma.local [hbm:s3], $0xF7A  }
0x26: {  	[smem:$0x3F9F] =	sst s1;
	(tag) =	ssettag s2;
	_ =	strace s9  }
0x27: {  	s1 =	sld [smem:$0x3FAF]  }
0x28: {  	s2 =	sld [smem:$0x3FB0]  }
0x29: {  	s4 =	sld [smem:$0x3FB2]  }
0x2a: {  	p0 =	seq.s32 s5, $0x0;
	s5 =	sld [smem:$0x3FB3]  }
0x2b: {  	s6 =	sld [smem:$0x3FB4]  }
0x2c: {  	s7 =	sld [smem:$0x3FB5]  }
0x2d: {  	s3 =	simm.s32 $0x108;
	s8 =	sld [smem:$0x3FB6]  }
0x2e: {  	s3 =	simm.s32 @!p0 $0x1082;
	s9 =	sld [smem:$0x3FB7]  }
0x2f: {  	lr =	sadd.s32 s0, s3;
	s0 =	sld [smem:$0x3FAE]  }
0x30: {  	s3 =	sld [smem:$0x3FB1]  }
0x31: {  	[smem:$0x3FBA] =	sst s10  }
0x32: {  	s10 =	sld [smem:$0x3FB8];
	_ =	sdelay $0x3  }
0x33: {  	p0 =	seq.s32 s10, $0x1;
	s10 =	sld [smem:$0x3FBA];
	_ =	sdelay $0x3  }
0x34: {  	[smem:$0x3FBA] =	sst s10  }
0x35: {  	s10 =	sld [smem:$0x3FB9];
	_ =	sdelay $0x3  }
0x36: {  	p1 =	seq.s32 s10, $0x1;
	s10 =	sld [smem:$0x3FBA];
	_ =	sdelay $0x3  }
0x37: {  	[smem:$0x3FBA] =	sst s10  }
0x38: {  	s10 =	sld [smem:$0x3FBB]  }
0x39: {  	_ = 	snop;
	(pc) =	sbr.ind lr, $3  }
0x3a: {  	_ = 	snop  }
0x3b: {  	_ = 	snop  }
0x3c: {  	p2 =	seq.s32 s10, $0x1;
	s10 =	sld [smem:$0x3FBA]  }
0x3d: {  	_ =	shalt  }
0x3e: {  	_ =	shalt  }
0x3f: {  	_ =	shalt  }
0x40: {  	_ =	shalt  }
0x41: {  	_ =	shalt  }
0x42: {  	_ =	shalt  }
0x43: {  	_ =	shalt  }
0x44: {  	_ =	shalt  }
0x45: {  	_ =	shalt  }
0x46: {  	_ =	shalt  }
0x47: {  	_ =	shalt  }
0x48: {  	_ =	shalt  }
0x49: {  	_ =	shalt  }
0x4a: {  	_ =	shalt  }
0x4b: {  	_ =	shalt  }
0x4c: {  	_ =	shalt  }
0x4d: {  	_ =	shalt  }
0x4e: {  	_ =	shalt  }
0x4f: {  	_ =	shalt  }
0x50: {  	_ =	shalt  }
0x51: {  	_ =	shalt  }
0x52: {  	_ =	shalt  }
0x53: {  	_ =	shalt  }
0x54: {  	_ =	shalt  }
0x55: {  	_ =	shalt  }
0x56: {  	_ =	shalt  }
0x57: {  	_ =	shalt  }
0x58: {  	_ =	shalt  }
0x59: {  	_ =	shalt  }
0x5a: {  	_ =	shalt  }
0x5b: {  	_ =	shalt  }
0x5c: {  	_ =	shalt  }
0x5d: {  	_ =	shalt  }
0x5e: {  	_ =	shalt  }
0x5f: {  	_ =	shalt  }
0x60: {  	_ =	shalt  }
0x61: {  	_ =	shalt  }
0x62: {  	_ =	shalt  }
0x63: {  	_ =	shalt  }
0x64: {  	_ =	shalt  }
0x65: {  	_ =	shalt  }
0x66: {  	_ =	shalt  }
0x67: {  	_ =	shalt  }
0x68: {  	_ =	shalt  }
0x69: {  	_ =	shalt  }
0x6a: {  	_ =	shalt  }
0x6b: {  	_ =	shalt  }
0x6c: {  	_ =	shalt  }
0x6d: {  	_ =	shalt  }
0x6e: {  	_ =	shalt  }
0x6f: {  	_ =	shalt  }
0x70: {  	_ =	shalt  }
0x71: {  	_ =	shalt  }
0x72: {  	_ =	shalt  }
0x73: {  	_ =	shalt  }
0x74: {  	_ =	shalt  }
0x75: {  	_ =	shalt  }
0x76: {  	_ =	shalt  }
0x77: {  	_ =	shalt  }
0x78: {  	_ =	shalt  }
0x79: {  	_ =	shalt  }
0x7a: {  	_ =	shalt  }
0x7b: {  	_ =	shalt  }
0x7c: {  	_ =	shalt  }
0x7d: {  	_ =	shalt  }
0x7e: {  	_ =	shalt  }
0x7f: {  	_ =	shalt  }
0x80: {  	_ =	shalt  }
0x81: {  	_ =	shalt  }
0x82: {  	_ =	shalt  }
0x83: {  	_ =	shalt  }
0x84: {  	_ =	shalt  }
0x85: {  	_ =	shalt  }
0x86: {  	_ =	shalt  }
0x87: {  	_ =	shalt  }
.Lfunc_end0:
.L_simem_size_0:
called_computation.1_lowered:
.L_overlay_start_0:
0x88: {  	s2 =	sld [smem:$0x3FD9]  }
0x89: {  	s3 =	sld [smem:$0x3FFE];
	_ =	sdelay $0x1  }
0x8a: {  	s1 =	srdreg.scid  }
0x8b: {  	s0 =	sand.u32 $0x1, s1  }
0x8c: {  	s17 =	sshll.u32 s0, $0xA;
	s2 =	sadd.s32 s3, s2  }
0x8d: {  	s2 =	sadd.s32 s2, s17  }
0x8e: {  	[smem:$0x3FC6] =	sst s2  }
0x8f: {  	_ = 	snop  }
0x90: {  	s2 =	sld [smem:$0x3FD0];
	(tm) =	ssettm $0x1  }
0x91: {  	s18 =	sld [smem:$0x3FFB];
	_ =	sdelay $0x3  }
0x92: {  	_ =	strace s18  }
0x93: {  	s3 =	sld [smem:$0x3FFC];
	_ =	sdelay $0x3  }
0x94: {  	_ =	strace s3  }
0x95: {  	s3 =	sld [smem:$0x3FFD];
	_ =	sdelay $0x3  }
0x96: {  	_ =	strace s3  }
0x97: {  	_ =	strace $0x8FFFFFFF  }
0x98: {  	s19 =	sld [smem:$0x3FDB];
	_ =	sdelay $0x1  }
0x99: {  	s4 =	simm.s32 $_scs_section_size  }
0x9a: {  	s5 =	simm.s32 $_size__tile_overlayer_lowered;
	s6 =	simm.s32 $_tile_overlayer_lowered  }
0x9b: {  	s22 =	simm.s32 $0x1BFF;
	s21 =	sshll.u32 s6, $0x1;
	s3 =	sadd.s32 s4, s19  }
0x9c: {  	s7 =	simm.s32 $0x0;
	s20 =	sshll.u32 s5, $0x1;
	s5 =	sadd.s32 s21, s3  }
0x9d: {  	[timem:s7], [sflag:s22] =	dma.local [hbm:s5], s20  }
0x9e: {  	_ =	swait.ge [sflag:s22], s20  }
0x9f: {  	s4 =	ssub.s32 $0x0, s20;
	[sflag:s22] =	ssyncset.done $0x0  }
0xa0: {  	[sflag:s22] =	ssyncadd.s32 s4;
	_ =	sdelay $0x1  }
0xa1: {  	s23 =	simm.s32 $0x1B8B  }
0xa2: {  	_ =	swait.ge [sflag:s23], $0x1  }
0xa3: {  	[sflag:s23] =	ssyncset.done $0x0  }
0xa4: {  	s25 =	simm.s32 $0x1B8E;
	s24 =	sld [smem:$0x3FFE];
	[sflag:s23] =	ssyncadd.s32 $0xFFFFFFFF  }
0xa5: {  	s26 =	simm.s32 $execute0_lowered;
	[smem:$0x3FD2] =	sst s25  }
0xa6: {  	s5 =	sshll.u32 s26, $0x1;
	_ =	strace $0x80000046;
	[dreg:$0x1] =	wrdreg $0xFFFFFFFF  }
0xa7: {  	s28 =	simm.s32 $_size_execute0_lowered;
	s3 =	sadd.s32 s3, s5;
	[dreg:$0x0] =	wrdreg $0x0  }
0xa8: {  	s5 =	sshll.u32 s28, $0x1;
	[dreg:$0x2] =	wrdreg s3  }
0xa9: {  	[dreg:$0x3] =	wrdreg s5  }
0xaa: {  	[dreg:$0x4] =	wrdreg $0xC0  }
0xab: {  	_ =	task [dreg:s7], $0x5FFFF  }
0xac: {  	[dreg:$0x1] =	wrdreg $0xFFFFFFFF  }
0xad: {  	[dreg:$0x0] =	wrdreg $0x60  }
0xae: {  	[dreg:$0x2] =	wrdreg s2  }
0xaf: {  	[dreg:$0x3] =	wrdreg s24  }
0xb0: {  	[dreg:$0x4] =	wrdreg $0x9  }
0xb1: {  	_ =	task.clear_ibuf [dreg:s7], $0x5FFFF;
	_ =	strace $0x90000046  }
0xb2: {  	s29 =	simm.s32 $0x9;
	_ =	strace $0x80000048  }
0xb3: {  	_ =	swait.ge [sflag:s29], $0x1  }
0xb4: {  	[sflag:s29] =	ssyncadd.s32 $0xFFFFFFFF  }
0xb5: {  	_ =	strace $0x90000048  }
0xb6: {  	_ =	sfence  }
0xb7: {  	s30 =	sld [smem:$0x0];
	_ =	sdelay $0x2  }
0xb8: {  	s31 =	sshll.u32 s1, $0xD;
	s1 =	sshrl.u32 s1, $0x2  }
0xb9: {  	s3 =	sand.u32 $0x4000, s31;
	s1 =	sadd.s32 s1, s30  }
0xba: {  	s0 =	sor.u32 s3, s0;
	s1 =	sshll.u32 s1, $0x11  }
0xbb: {  	s0 =	sor.u32 s1, s0  }
0xbc: {  	s0 =	sadd.s32 $0x8F2B, s0  }
0xbd: {  	[sflag:s0] =	ssyncadd.remote.s32 $0x1  }
0xbe: {  	_ =	sfence.sel $0xFFFF  }
0xbf: {  	[dreg:$0x0] =	wrdreg $0xFFFFFFFF;
	(pc) =	sbr.abs _section_cstart, $3  }
0xc0: {  	[dreg:$0x1] =	wrdreg $0xFFFFFFFF  }
0xc1: {  	_ =	task.clear_ibuf [dreg:s7], $0x2FFFF;
	_ =	strace $0x9FFFFFFF  }
0xc2: {  	(tm) =	ssettm $0x7FFFFFFF  }
0xc3: {  	_ =	shalt  }
tec
execute0_lowered:
.L_overlay_start_1:
0x0: {  	(tag) =	ssettag $0x1  }
0x1: {  	s0 =	rddreg [dreg:$0x0]  }
0x2: {  	s1 =	rddreg [dreg:$0x1];
	s3 =	srdreg.scid  }
0x3: {  	s5 =	simm.s32 $0x0;
	s2 =	stileid.u32;
	s9 =	simm.s32 $0x5  }
0x4: {  	s10 =	simm.s32 $0x68;
	s12 =	simm.s32 $0x60;
	s28 =	simm.s32 $0xCE40  }
0x5: {  	s31 =	simm.s32 $0x3E8;
	s13 =	simm.s32 $0x11A40;
	s14 =	simm.s32 $0x4B0  }
0x6: {  	s15 =	simm.s32 $0x13240;
	s16 =	simm.s32 $0x518;
	s17 =	simm.s32 $0x14C40  }
0x7: {  	s18 =	simm.s32 $0x578;
	s19 =	simm.s32 $0x16440;
	s20 =	simm.s32 $0x5E0  }
0x8: {  	s30 =	simm.s32 $0x0;
	s4 =	sand.u32 $0x1, s3;
	s6 =	smul.u32 $0xC8000, s2  }
0x9: {  	[smem:$0x7FF] =	sst s5;
	s21 =	sshll.u32 s2, $0x8;
	s7 =	smul.u32 $0x1900, s2  }
0xa: {  	s3 =	sadd.s32 $0xF42E00, s1;
	s22 =	sshll.u32 s4, $0x7;
	s25 =	smul.u32 $0x64000, s4  }
0xb: {  	_ =	strace $0x80000047;
	s23 =	ssub.s32 $0x2, s4;
	s4 =	smul.u32 $0xC80, s4  }
0xc: {  	s5 =	sor.u32 s22, s21;
	s1 =	sadd.s32 s6, s1;
	s8 =	sshrl.u32 s23, $0x1  }
0xd: {  	s21 =	simm.s32 $0x17E40;
	s22 =	simm.s32 $0x1;
	s5 =	smul.u32 $0x19, s5  }
0xe: {  	s6 =	ssub.s32 s23, s8;
	s1 =	sadd.s32 s25, s1;
	s23 =	simm.s32 $0x40  }
0xf: {  	s25 =	simm.s32 $0x2;
	s26 =	smax.u32 s6, $0x1;
	s29 =	sadd.s32 $0xA00, s1  }
.Ltmp0:
0x10: {  	s1 =	simm.s32 $0x450;
	[dreg:$0x5] =	wrdreg s26;
	(pc) =	sbr.rel .LBB2_1-.Ltmp0, $4  }
0x11: {  	s6 =	simm.s32 $0x4;
	s24 =	sadd.s32 s0, s5;
	[dreg:$0x6] =	wrdreg s29  }
0x12: {  	s0 =	sadd.s32 s7, s0;
	s26 =	simm.s32 $0x320;
	[dreg:$0x3] =	wrdreg s24  }
0x13: {  	s2 =	sadd.s32 $0x64, s24;
	s7 =	sadd.s32 s4, s0;
	s0 =	simm.s32 $0x10040  }
0x14: {  	s24 =	simm.s32 $0x80;
	s4 =	simm.s32 $0x0;
	[dreg:$0x4] =	wrdreg s2  }
.LBB2_4:
0x15: {  	s2 =	simm.s32 $0x3  }
0x16: {  	_ =	swait.ge [sflag:s2], $0xC800  }
0x17: {  	[sflag:s2] =	ssyncset.done $0x0  }
0x18: {  	[sflag:s2] =	ssyncadd.s32 $0xFFFF3800  }
0x19: {  	_ =	swait.ge [sflag:s6], $0xC800  }
0x1a: {  	s4 =	rddreg [dreg:$0x7]  }
0x1b: {  	s29 =	rddreg [dreg:$0x5];
	s4 =	sadd.s32 $0x1, s4  }
0x1c: {  	p0 =	sne.s32 s4, s29  }
.Ltmp1:
0x1d: {  	_ = 	snop;
	(pc) =	sbr.rel @!p0 .LBB2_5-.Ltmp1, $3  }
0x1e: {  	_ =	sdelay $0x1  }
0x1f: {  	[sflag:s6] =	ssyncset.done $0x0  }
0x20: {  	[sflag:s6] =	ssyncadd.s32 $0xFFFF3800  }
.LBB2_1:
0x21: {  	[dreg:$0x7] =	wrdreg s4  }
0x22: {  	s2 =	simm.s32 $0x0;
	s11 =	rddreg [dreg:$0x3]  }
0x23: {  	[tilespmem:s2], [sflag:$0x5] =	stream.linear.gather [hbm4b:s11+s2], $0x320, $0x38;
	[tilespmem:$0x19640] =	vst v63  }
0x24: {  	_ =	swait.ge [sflag:s9], $0x320  }
0x25: {  	[sflag:s9] =	ssyncset.done $0x0  }
0x26: {  	s29 =	simm.s32 $0x640;
	[sflag:s9] =	ssyncadd.s32 $0xFFFFFCE0  }
0x27: {  	[tilespmem:s29], [sflag:$0x1] =	stream.indirect.gather [hbm4b:s3+s10], $0x40, s2, s10, $0xb8;
	[tilespmem:$0x19640] =	vst v63  }
0x28: {  	s5 =	simm.s32 $0x2040  }
0x29: {  	[tilespmem:s5], [sflag:$0x1] =	stream.indirect.gather [hbm4b:s3+s12], $0x40, s10, s12, $0xb8;
	[tilespmem:$0x19640] =	vst v63  }
0x2a: {  	s8 =	simm.s32 $0xC8;
	s5 =	simm.s32 $0x3840  }
0x2b: {  	[tilespmem:s5], [sflag:$0x1] =	stream.indirect.gather [hbm4b:s3+s10], $0x40, s8, s10, $0xb8;
	[tilespmem:$0x19640] =	vst v63  }
0x2c: {  	s11 =	simm.s32 $0x130;
	s29 =	simm.s32 $0x5240  }
0x2d: {  	[tilespmem:s29], [sflag:$0x1] =	stream.indirect.gather [hbm4b:s3+s12], $0x40, s11, s12, $0xb8;
	[tilespmem:$0x19640] =	vst v63  }
0x2e: {  	s5 =	simm.s32 $0x190;
	s8 =	simm.s32 $0x6A40  }
0x2f: {  	[tilespmem:s8], [sflag:$0x1] =	stream.indirect.gather [hbm4b:s3+s10], $0x40, s5, s10, $0xb8;
	[tilespmem:$0x19640] =	vst v63  }
0x30: {  	s11 =	simm.s32 $0x1F8;
	s29 =	simm.s32 $0x8440  }
0x31: {  	[tilespmem:s29], [sflag:$0x1] =	stream.indirect.gather [hbm4b:s3+s12], $0x40, s11, s12, $0xb8;
	[tilespmem:$0x19640] =	vst v63  }
0x32: {  	s5 =	simm.s32 $0x258;
	s8 =	simm.s32 $0x9C40  }
0x33: {  	[tilespmem:s8], [sflag:$0x1] =	stream.indirect.gather [hbm4b:s3+s10], $0x40, s5, s10, $0xb8;
	[tilespmem:$0x19640] =	vst v63  }
0x34: {  	s11 =	simm.s32 $0x2C0;
	s29 =	simm.s32 $0xB640  }
0x35: {  	[tilespmem:s29], [sflag:$0x1] =	stream.indirect.gather [hbm4b:s3+s12], $0x40, s11, s12, $0xb8;
	[tilespmem:$0x19640] =	vst v63  }
0x36: {  	s8 =	rddreg [dreg:$0x4]  }
0x37: {  	[tilespmem:s26], [sflag:$0x5] =	stream.linear.gather [hbm4b:s8+s2], $0x320, $0x38;
	[tilespmem:$0x19640] =	vst v63  }
0x38: {  	_ =	swait.ge [sflag:s9], $0x320  }
0x39: {  	[sflag:s9] =	ssyncset.done $0x0  }
0x3a: {  	[sflag:s9] =	ssyncadd.s32 $0xFFFFFCE0  }
0x3b: {  	[tilespmem:s28], [sflag:$0x2] =	stream.indirect.gather [hbm4b:s3+s10], $0x40, s26, s10, $0xb8;
	[tilespmem:$0x19640] =	vst v63  }
0x3c: {  	s11 =	simm.s32 $0x388;
	s29 =	simm.s32 $0xE840  }
0x3d: {  	[tilespmem:s29], [sflag:$0x2] =	stream.indirect.gather [hbm4b:s3+s12], $0x40, s11, s12, $0xb8;
	[tilespmem:$0x19640] =	vst v63  }
0x3e: {  	_ = 	snop  }
0x3f: {  	[tilespmem:s0], [sflag:$0x2] =	stream.indirect.gather [hbm4b:s3+s10], $0x40, s31, s10, $0xb8;
	[tilespmem:$0x19640] =	vst v63  }
0x40: {  	_ = 	snop  }
0x41: {  	[tilespmem:s13], [sflag:$0x2] =	stream.indirect.gather [hbm4b:s3+s12], $0x40, s1, s12, $0xb8;
	[tilespmem:$0x19640] =	vst v63  }
0x42: {  	_ = 	snop  }
0x43: {  	[tilespmem:s15], [sflag:$0x2] =	stream.indirect.gather [hbm4b:s3+s10], $0x40, s14, s10, $0xb8;
	[tilespmem:$0x19640] =	vst v63  }
0x44: {  	_ = 	snop  }
0x45: {  	[tilespmem:s17], [sflag:$0x2] =	stream.indirect.gather [hbm4b:s3+s12], $0x40, s16, s12, $0xb8;
	[tilespmem:$0x19640] =	vst v63  }
0x46: {  	_ = 	snop  }
0x47: {  	[tilespmem:s19], [sflag:$0x2] =	stream.indirect.gather [hbm4b:s3+s10], $0x40, s18, s10, $0xb8;
	[tilespmem:$0x19640] =	vst v63  }
0x48: {  	s5 =	simm.s32 $0x0;
	s8 =	rddreg [dreg:$0x6]  }
0x49: {  	[tilespmem:s21], [sflag:$0x2] =	stream.indirect.gather [hbm4b:s3+s12], $0x40, s20, s12, $0xb8;
	[tilespmem:$0x19640] =	vst v63  }
.LBB2_2:
0x4a: {  	_ =	swait.ge [sflag:s22], $0x1A00  }
0x4b: {  	[sflag:s22] =	ssyncset.done $0x0  }
0x4c: {  	[sflag:s22] =	ssyncadd.s32 $0xFFFFE600  }
0x4d: {  	_ =	swait.ge [sflag:s22], $0x1800  }
0x4e: {  	[sflag:s22] =	ssyncset.done $0x0  }
0x4f: {  	[sflag:s22] =	ssyncadd.s32 $0xFFFFE800  }
0x50: {  	_ =	swait.ge [sflag:s22], $0x1A00  }
0x51: {  	[sflag:s22] =	ssyncset.done $0x0  }
0x52: {  	[sflag:s22] =	ssyncadd.s32 $0xFFFFE600  }
0x53: {  	_ =	swait.ge [sflag:s22], $0x1800  }
0x54: {  	[sflag:s22] =	ssyncset.done $0x0  }
0x55: {  	[sflag:s22] =	ssyncadd.s32 $0xFFFFE800  }
0x56: {  	_ =	swait.ge [sflag:s22], $0x1A00  }
0x57: {  	[sflag:s22] =	ssyncset.done $0x0  }
0x58: {  	[sflag:s22] =	ssyncadd.s32 $0xFFFFE600  }
0x59: {  	_ =	swait.ge [sflag:s22], $0x1800  }
0x5a: {  	[sflag:s22] =	ssyncset.done $0x0  }
0x5b: {  	[sflag:s22] =	ssyncadd.s32 $0xFFFFE800  }
0x5c: {  	_ =	swait.ge [sflag:s22], $0x1A00  }
0x5d: {  	[sflag:s22] =	ssyncset.done $0x0  }
0x5e: {  	[sflag:s22] =	ssyncadd.s32 $0xFFFFE600  }
0x5f: {  	_ =	swait.ge [sflag:s22], $0x1800  }
0x60: {  	p0 =	seq.s32 s5, $0xBB8;
	[sflag:s22] =	ssyncset.done $0x0  }
0x61: {  	s2 =	simm.s32 $0x640;
	s4 =	simm.s32 @!p0 $0x3;
	[sflag:s22] =	ssyncadd.s32 $0xFFFFE800  }
0x62: {  	[hbm4b:s8+s23] =	stream.strided.scatter [tilespmem:s2], [sflag:$0x3], $0xC800, s24, s23, $0x38;
	[tilespmem:$0x19640] =	vst v63  }
0x63: {  	_ =	swait.ge @!p0 [sflag:s4], $0xC800  }
0x64: {  	s2 =	sadd.s32 @!p0 s5, s7;
	[sflag:s4] =	ssyncset.done @!p0 $0x0  }
0x65: {  	s2 =	sadd.s32 @!p0 $0xC8, s2;
	[sflag:s4] =	ssyncadd.s32 @!p0 $0xFFFF3800;
	s4 =	simm.s32 @!p0 $0x0  }
0x66: {  	[tilespmem:s4], [sflag:$0x5] =	stream.linear.gather @!p0 [hbm4b:s2+s4], $0x320, $0x38;
	[tilespmem:$0x19640] =	vst v63  }
0x67: {  	s2 =	simm.s32 @!p0 $0x5  }
0x68: {  	_ =	swait.ge @!p0 [sflag:s2], $0x320  }
0x69: {  	[sflag:s2] =	ssyncset.done @!p0 $0x0  }
0x6a: {  	s11 =	simm.s32 @!p0 $0x640;
	[sflag:s2] =	ssyncadd.s32 @!p0 $0xFFFFFCE0;
	s2 =	simm.s32 @!p0 $0x68  }
0x6b: {  	[tilespmem:s11], [sflag:$0x1] =	stream.indirect.gather @!p0 [hbm4b:s3+s2], $0x40, s4, s2, $0xb8;
	[tilespmem:$0x19640] =	vst v63  }
0x6c: {  	s4 =	simm.s32 @!p0 $0x60;
	s11 =	simm.s32 @!p0 $0x2040  }
0x6d: {  	[tilespmem:s11], [sflag:$0x1] =	stream.indirect.gather @!p0 [hbm4b:s3+s4], $0x40, s2, s4, $0xb8;
	[tilespmem:$0x19640] =	vst v63  }
0x6e: {  	s29 =	simm.s32 @!p0 $0x3840;
	s11 =	simm.s32 @!p0 $0xC8  }
0x6f: {  	[tilespmem:s29], [sflag:$0x1] =	stream.indirect.gather @!p0 [hbm4b:s3+s2], $0x40, s11, s2, $0xb8;
	[tilespmem:$0x19640] =	vst v63  }
0x70: {  	s11 =	simm.s32 @!p0 $0x130;
	s29 =	simm.s32 @!p0 $0x5240  }
0x71: {  	[tilespmem:s29], [sflag:$0x1] =	stream.indirect.gather @!p0 [hbm4b:s3+s4], $0x40, s11, s4, $0xb8;
	[tilespmem:$0x19640] =	vst v63  }
0x72: {  	s11 =	simm.s32 @!p0 $0x190;
	s29 =	simm.s32 @!p0 $0x6A40  }
0x73: {  	[tilespmem:s29], [sflag:$0x1] =	stream.indirect.gather @!p0 [hbm4b:s3+s2], $0x40, s11, s2, $0xb8;
	[tilespmem:$0x19640] =	vst v63  }
0x74: {  	s11 =	simm.s32 @!p0 $0x1F8;
	s29 =	simm.s32 @!p0 $0x8440  }
0x75: {  	[tilespmem:s29], [sflag:$0x1] =	stream.indirect.gather @!p0 [hbm4b:s3+s4], $0x40, s11, s4, $0xb8;
	[tilespmem:$0x19640] =	vst v63  }
0x76: {  	s11 =	simm.s32 @!p0 $0x258;
	s29 =	simm.s32 @!p0 $0x9C40  }
0x77: {  	[tilespmem:s29], [sflag:$0x1] =	stream.indirect.gather @!p0 [hbm4b:s3+s2], $0x40, s11, s2, $0xb8;
	[tilespmem:$0x19640] =	vst v63  }
0x78: {  	s2 =	simm.s32 @!p0 $0x2C0;
	s11 =	simm.s32 @!p0 $0xB640  }
0x79: {  	[tilespmem:s11], [sflag:$0x1] =	stream.indirect.gather @!p0 [hbm4b:s3+s4], $0x40, s2, s4, $0xb8;
	[tilespmem:$0x19640] =	vst v63  }
0x7a: {  	_ =	swait.ge [sflag:s25], $0x1A00  }
0x7b: {  	[sflag:s25] =	ssyncset.done $0x0  }
0x7c: {  	[sflag:s25] =	ssyncadd.s32 $0xFFFFE600  }
0x7d: {  	_ =	swait.ge [sflag:s25], $0x1800  }
0x7e: {  	[sflag:s25] =	ssyncset.done $0x0  }
0x7f: {  	[sflag:s25] =	ssyncadd.s32 $0xFFFFE800  }
0x80: {  	_ =	swait.ge [sflag:s25], $0x1A00  }
0x81: {  	[sflag:s25] =	ssyncset.done $0x0  }
0x82: {  	[sflag:s25] =	ssyncadd.s32 $0xFFFFE600  }
0x83: {  	_ =	swait.ge [sflag:s25], $0x1800  }
0x84: {  	[sflag:s25] =	ssyncset.done $0x0  }
0x85: {  	[sflag:s25] =	ssyncadd.s32 $0xFFFFE800  }
0x86: {  	_ =	swait.ge [sflag:s25], $0x1A00  }
0x87: {  	[sflag:s25] =	ssyncset.done $0x0  }
0x88: {  	[sflag:s25] =	ssyncadd.s32 $0xFFFFE600  }
0x89: {  	_ =	swait.ge [sflag:s25], $0x1800  }
0x8a: {  	[sflag:s25] =	ssyncset.done $0x0  }
0x8b: {  	[sflag:s25] =	ssyncadd.s32 $0xFFFFE800  }
0x8c: {  	_ =	swait.ge [sflag:s25], $0x1A00  }
0x8d: {  	[sflag:s25] =	ssyncset.done $0x0  }
.Ltmp2:
0x8e: {  	[sflag:s25] =	ssyncadd.s32 $0xFFFFE600;
	(pc) =	sbr.rel @p0 .LBB2_4-.Ltmp2, $4  }
0x8f: {  	_ =	swait.ge [sflag:s25], $0x1800  }
0x90: {  	[sflag:s25] =	ssyncset.done $0x0  }
0x91: {  	s29 =	sadd.s32 $0x3200, s8;
	[sflag:s25] =	ssyncadd.s32 $0xFFFFE800  }
0x92: {  	[hbm4b:s29+s23] =	stream.strided.scatter [tilespmem:s28], [sflag:$0x4], $0xC800, s24, s23, $0x38;
	[tilespmem:$0x19640] =	vst v63  }
0x93: {  	_ =	swait.ge [sflag:s6], $0xC800  }
0x94: {  	s2 =	sadd.s32 s5, s7;
	[sflag:s6] =	ssyncset.done $0x0  }
0x95: {  	s2 =	sadd.s32 $0x12C, s2;
	[sflag:s6] =	ssyncadd.s32 $0xFFFF3800  }
0x96: {  	[tilespmem:s26], [sflag:$0x5] =	stream.linear.gather [hbm4b:s2+s30], $0x320, $0x38;
	[tilespmem:$0x19640] =	vst v63  }
0x97: {  	_ =	swait.ge [sflag:s9], $0x320  }
0x98: {  	[sflag:s9] =	ssyncset.done $0x0  }
0x99: {  	[sflag:s9] =	ssyncadd.s32 $0xFFFFFCE0  }
0x9a: {  	[tilespmem:s28], [sflag:$0x2] =	stream.indirect.gather [hbm4b:s3+s10], $0x40, s26, s10, $0xb8;
	[tilespmem:$0x19640] =	vst v63  }
0x9b: {  	s29 =	simm.s32 $0x388;
	s4 =	simm.s32 $0xE840  }
0x9c: {  	[tilespmem:s4], [sflag:$0x2] =	stream.indirect.gather [hbm4b:s3+s12], $0x40, s29, s12, $0xb8;
	[tilespmem:$0x19640] =	vst v63  }
0x9d: {  	_ = 	snop  }
0x9e: {  	[tilespmem:s0], [sflag:$0x2] =	stream.indirect.gather [hbm4b:s3+s10], $0x40, s31, s10, $0xb8;
	[tilespmem:$0x19640] =	vst v63  }
0x9f: {  	_ = 	snop  }
0xa0: {  	[tilespmem:s13], [sflag:$0x2] =	stream.indirect.gather [hbm4b:s3+s12], $0x40, s1, s12, $0xb8;
	[tilespmem:$0x19640] =	vst v63  }
0xa1: {  	_ = 	snop  }
0xa2: {  	[tilespmem:s15], [sflag:$0x2] =	stream.indirect.gather [hbm4b:s3+s10], $0x40, s14, s10, $0xb8;
	[tilespmem:$0x19640] =	vst v63  }
0xa3: {  	_ = 	snop  }
0xa4: {  	[tilespmem:s17], [sflag:$0x2] =	stream.indirect.gather [hbm4b:s3+s12], $0x40, s16, s12, $0xb8;
	[tilespmem:$0x19640] =	vst v63  }
.Ltmp3:
0xa5: {  	_ = 	snop;
	(pc) =	sbr.rel .LBB2_2-.Ltmp3, $4  }
0xa6: {  	_ = 	snop  }
0xa7: {  	[tilespmem:s19], [sflag:$0x2] =	stream.indirect.gather [hbm4b:s3+s10], $0x40, s18, s10, $0xb8;
	[tilespmem:$0x19640] =	vst v63  }
0xa8: {  	s5 =	sadd.s32 $0xC8, s5;
	s8 =	sadd.s32 $0x6400, s8  }
0xa9: {  	[tilespmem:s21], [sflag:$0x2] =	stream.indirect.gather [hbm4b:s3+s12], $0x40, s20, s12, $0xb8;
	[tilespmem:$0x19640] =	vst v63  }
.LBB2_5:
0xaa: {  	_ =	sfence.sel $0x180000  }
0xab: {  	[bflag:$0x0] =	sbarrier.arrive $0xFFFF  }
0xac: {  	_ =	strace $0x90000047  }
0xad: {  	s0 =	stileid.u32;
	[bflag:$0x2] =	sbarrier.arrive $0xFFFF  }
0xae: {  	p0 =	sne.s32 s0, $0x0;
	s0 =	rddreg [dreg:$0x2]  }
0xaf: {  	s0 =	sadd.s32 @!p0 $0x100000, s0  }
0xb0: {  	[sflag:s0] =	ssyncadd.tile.s32 @!p0 $0x1;
	_ =	shalt  }
.Lfunc_end2:
_tile_overlayer_lowered:
.L_overlay_start_2:
0xb1: {  	(tag) =	ssettag $0x2  }
0xb2: {  	s0 =	rddreg [dreg:$0x0];
	s2 =	stileid.u32  }
0xb3: {  	s1 =	rddreg [dreg:$0x1];
	p0 =	sne.s32 s2, $0x0  }
0xb4: {  	s3 =	rddreg [dreg:$0x2];
	[bflag:$0x3] =	sbarrier.arrive $0xFFFF;
	s2 =	simm.s32 @!p0 $0x1C05  }
0xb5: {  	[timem:s3], [sflag:s2] =	dma.local @!p0 [hbm:s0], s1  }
0xb6: {  	s0 =	simm.s32 @!p0 $0x5  }
0xb7: {  	_ =	swait.ge @!p0 [sflag:s0], s1  }
0xb8: {  	s1 =	ssub.s32 @!p0 $0x0, s1;
	[sflag:s0] =	ssyncset.done @!p0 $0x0  }
0xb9: {  	[sflag:s0] =	ssyncadd.s32 @!p0 s1  }
0xba: {  	[bflag:$0x3] =	sbarrier.arrive $0xFFFF  }
0xbb: {  	_ =	shalt  }

// kernel: sparse-core-data-format-call.cloned.1.call-start
scs
called_computation_lowered:
.L_overlay_start_0:
0x0: {  	s2 =	sld [smem:$0x3FD9]  }
0x1: {  	s3 =	sld [smem:$0x3FFE];
	_ =	sdelay $0x1  }
0x2: {  	s1 =	srdreg.scid  }
0x3: {  	s0 =	sand.u32 $0x1, s1  }
0x4: {  	s18 =	sshll.u32 s0, $0xA;
	s2 =	sadd.s32 s3, s2  }
0x5: {  	s2 =	sadd.s32 s2, s18  }
0x6: {  	[smem:$0x3FC6] =	sst s2  }
0x7: {  	_ = 	snop  }
0x8: {  	s2 =	sld [smem:$0x3FD0];
	(tm) =	ssettm $0x1  }
0x9: {  	s19 =	sld [smem:$0x3FFB];
	_ =	sdelay $0x3  }
0xa: {  	_ =	strace s19  }
0xb: {  	s3 =	sld [smem:$0x3FFC];
	_ =	sdelay $0x3  }
0xc: {  	_ =	strace s3  }
0xd: {  	s3 =	sld [smem:$0x3FFD];
	_ =	sdelay $0x3  }
0xe: {  	_ =	strace s3  }
0xf: {  	_ =	strace $0x8FFFFFFF  }
0x10: {  	s20 =	sld [smem:$0x3FDB];
	_ =	sdelay $0x1  }
0x11: {  	s4 =	simm.s32 $_scs_section_size  }
0x12: {  	s5 =	simm.s32 $_size__tile_overlayer_lowered;
	s6 =	simm.s32 $_tile_overlayer_lowered  }
0x13: {  	s23 =	simm.s32 $0x1BFF;
	s22 =	sshll.u32 s6, $0x1;
	s3 =	sadd.s32 s4, s20  }
0x14: {  	s7 =	simm.s32 $0x0;
	s21 =	sshll.u32 s5, $0x1;
	s5 =	sadd.s32 s22, s3  }
0x15: {  	[timem:s7], [sflag:s23] =	dma.local [hbm:s5], s21  }
0x16: {  	_ =	swait.ge [sflag:s23], s21  }
0x17: {  	s4 =	ssub.s32 $0x0, s21;
	[sflag:s23] =	ssyncset.done $0x0  }
0x18: {  	[sflag:s23] =	ssyncadd.s32 s4;
	_ =	sdelay $0x1  }
0x19: {  	s24 =	simm.s32 $0x1B8B  }
0x1a: {  	_ =	swait.ge [sflag:s24], $0x1  }
0x1b: {  	[sflag:s24] =	ssyncset.done $0x0  }
0x1c: {  	s26 =	simm.s32 $0x1B8E;
	s25 =	sld [smem:$0x3FFE];
	[sflag:s24] =	ssyncadd.s32 $0xFFFFFFFF  }
0x1d: {  	s27 =	simm.s32 $execute0_lowered;
	[smem:$0x3FD2] =	sst s26  }
0x1e: {  	s5 =	sshll.u32 s27, $0x1;
	_ =	strace $0x80000049;
	[dreg:$0x1] =	wrdreg $0xFFFFFFFF  }
0x1f: {  	s28 =	simm.s32 $_size_execute0_lowered;
	s3 =	sadd.s32 s3, s5;
	[dreg:$0x0] =	wrdreg $0x0  }
0x20: {  	s5 =	sshll.u32 s28, $0x1;
	[dreg:$0x2] =	wrdreg s3  }
0x21: {  	[dreg:$0x3] =	wrdreg s5  }
0x22: {  	[dreg:$0x4] =	wrdreg $0xC0  }
0x23: {  	_ =	task [dreg:s7], $0x5FFFF  }
0x24: {  	[dreg:$0x1] =	wrdreg $0xFFFFFFFF  }
0x25: {  	[dreg:$0x0] =	wrdreg $0x60  }
0x26: {  	[dreg:$0x2] =	wrdreg s25  }
0x27: {  	[dreg:$0x3] =	wrdreg s2  }
0x28: {  	[dreg:$0x4] =	wrdreg $0x9  }
0x29: {  	_ =	task.clear_ibuf [dreg:s7], $0x5FFFF;
	_ =	strace $0x90000049  }
0x2a: {  	s29 =	simm.s32 $0x9;
	_ =	strace $0x8000004B  }
0x2b: {  	_ =	swait.ge [sflag:s29], $0x1  }
0x2c: {  	[sflag:s29] =	ssyncadd.s32 $0xFFFFFFFF  }
0x2d: {  	_ =	strace $0x9000004B  }
0x2e: {  	_ =	sfence  }
0x2f: {  	s30 =	sld [smem:$0x0];
	_ =	sdelay $0x2  }
0x30: {  	s31 =	sshll.u32 s1, $0xD;
	s1 =	sshrl.u32 s1, $0x2  }
0x31: {  	s3 =	sand.u32 $0x4000, s31;
	s1 =	sadd.s32 s1, s30  }
0x32: {  	s0 =	sor.u32 s3, s0;
	s1 =	sshll.u32 s1, $0x11  }
0x33: {  	s0 =	sor.u32 s1, s0  }
0x34: {  	s0 =	sadd.s32 $0x8F2B, s0  }
0x35: {  	[sflag:s0] =	ssyncadd.remote.s32 $0x1  }
0x36: {  	_ =	sfence.sel $0xFFFF  }
0x37: {  	[dreg:$0x0] =	wrdreg $0xFFFFFFFF;
	(pc) =	sbr.abs _section_cstart, $3  }
0x38: {  	[dreg:$0x1] =	wrdreg $0xFFFFFFFF  }
0x39: {  	_ =	task.clear_ibuf [dreg:s7], $0x2FFFF;
	_ =	strace $0x9FFFFFFF  }
0x3a: {  	(tm) =	ssettm $0x7FFFFFFF  }
0x3b: {  	_ =	shalt  }
tec
execute0_lowered:
.L_overlay_start_1:
0x0: {  	(tag) =	ssettag $0x1  }
0x1: {  	s0 =	srdreg.scid  }
0x2: {  	s1 =	sshll.u32 s0, $0x4  }
0x3: {  	s0 =	stileid.u32;
	s1 =	sand.u32 $0x10, s1  }
0x4: {  	s1 =	sor.u32 s0, s1  }
0x5: {  	s6 =	rddreg [dreg:$0x0];
	s4 =	simm.s32 $0x1;
	s2 =	sshll.u32 s1, $0x7  }
0x6: {  	s7 =	simm.s32 $0x2;
	s12 =	simm.s32 $0x0;
	s1 =	ssub.s32 $0x1000, s2  }
0x7: {  	s8 =	simm.s32 $0x8000;
	s13 =	simm.s32 $0x0;
	s3 =	sand.u32 $0xF80, s1  }
0x8: {  	s9 =	simm.s32 $0x0;
	s5 =	sshrl.u32 s1, $0xC;
	p0 =	sne.s32 s3, $0x0  }
.Ltmp0:
0x9: {  	s1 =	rddreg [dreg:$0x2];
	s4 =	simm.s32 @!p0 $0x0;
	(pc) =	sbr.rel .LBB1_1-.Ltmp0, $4  }
0xa: {  	s11 =	simm.s32 $0x0;
	s3 =	rddreg [dreg:$0x1];
	s5 =	sadd.s32 s4, s5  }
0xb: {  	_ =	strace $0x8000004A;
	s4 =	simm.s32 $0x1;
	s5 =	smul.u32 $0xC8, s5  }
0xc: {  	s6 =	sadd.s32 $0xA00, s6;
	s10 =	smov.u32 s2;
	[sflag:s4] =	ssyncpa.u1 $0x0  }
0xd: {  	p0 =	por $0x0, $0x0;
	[sflag:s7] =	ssyncpa.u1 $0x0;
	s7 =	sor.u32 $0x1, s5  }
.LBB1_4:
0xe: {  	s16 =	sshll.u32 s13, $0x3;
	s17 =	sand.u32 $0x78, s13  }
0xf: {  	s30 =	sand.u32 $0x7E00, s13;
	s12 =	sshll.u32 s12, $0xF;
	s16 =	sand.u32 $0xC00, s16  }
0x10: {  	[tilespmem:s15+$0x810 ss:$0x81] =	vst.msk $0xffff, v2;
	s31 =	sand.u32 $0x7, s13;
	s16 =	sor.u32 s17, s16;
	s17 =	sadd.s32 s3, s30  }
0x11: {  	[tilespmem:s15+$0x1020 ss:$0x81] =	vst.msk $0xffff, v0;
	s13 =	sshll.u32 s31, $0x12;
	s12 =	sadd.s32 s12, s17;
	s16 =	sshrl.u32 s16, $0x3  }
0x12: {  	[tilespmem:s15+$0x0 ss:$0x81] =	vst.msk $0xffff, v1;
	s13 =	sor.u32 $0x400, s13;
	s12 =	sadd.s32 s16, s12  }
0x13: {  	[hbm4b:s12+s13] =	stream.strided.scatter [tilespmem:s14], [sflag:$0x2], $0x2000, s8, s13, $0x20;
	[tilespmem:$0x8080] =	vst v63  }
.LBB1_5:
0x14: {  	s14 =	sadd.s32 $0x1, s9  }
0x15: {  	s12 =	sadd.s32 $0x1000, s10;
	s16 =	smov.u32 s10;
	p2 =	sgt.s32 s14, $0xC7  }
0x16: {  	s16 =	smov.u32 @p2 s12  }
0x17: {  	s14 =	simm.s32 @p2 $0x0;
	p2 =	sgt.s32 s16, $0xFFF  }
0x18: {  	s16 =	smov.u32 @p2 s2;
	p2 =	sne.s32 s11, s7  }
.Ltmp1:
0x19: {  	p1 =	slt.u32 s11, $0x2;
	(pc) =	sbr.rel @!p2 .LBB1_6-.Ltmp1, $4  }
0x1a: {  	s15 =	simm.s32 @!p1 $0x2  }
0x1b: {  	s13 =	smov.u32 s10;
	p0 =	por !p0, !p0;
	_ =	swait.ge @!p1 [sflag:s15], $0x2000  }
0x1c: {  	s12 =	smov.u32 s9;
	[sflag:s15] =	ssyncset.done @!p1 $0x0;
	s9 =	smov.u32 s14  }
0x1d: {  	s11 =	sadd.s32 $0x1, s11;
	[sflag:s15] =	ssyncadd.s32 @!p1 $0xFFFFE000;
	s10 =	smov.u32 s16  }
.LBB1_1:
0x1e: {  	p1 =	sge.u32 s11, s5  }
0x1f: {  	s14 =	sand.u32 @!p1 $0x1FFFFFF, s9  }
0x20: {  	s15 =	smulhi.u32 @!p1 $0x147AE15, s14;
	_ =	sdelay $0x1  }
0x21: {  	s15 =	smul.u32 @!p1 $0xC8, s15  }
0x22: {  	s16 =	sxor.u32 @!p1 $0xFFFFFFFF, s11;
	s17 =	smul.u32 @!p1 $0xC80, s10  }
0x23: {  	s31 =	sadd.s32 $0xFFFFFFFF, s11;
	s16 =	sshll.u32 @!p1 s16, $0xD;
	s14 =	ssub.s32 @!p1 s14, s15  }
0x24: {  	s15 =	sand.u32 @!p1 $0x2000, s16;
	s16 =	sadd.s32 @!p1 s6, s17;
	s14 =	sshll.u32 @!p1 s14, $0x4  }
0x25: {  	s17 =	simm.s32 @!p1 $0x6400;
	s14 =	sadd.s32 @!p1 s14, s16;
	s16 =	simm.s32 @!p1 $0x40  }
0x26: {  	[tilespmem:s15], [sflag:$0x1] =	stream.strided.gather @!p1 [hbm4b:s14+s16], $0x2000, s17, s16, $0x38;
	[tilespmem:$0x8080] =	vst v63  }
0x27: {  	p1 =	sge.u32 s31, s5  }
.Ltmp2:
0x28: {  	_ = 	snop;
	(pc) =	sbr.rel @p1 .LBB1_5-.Ltmp2, $1  }
0x29: {  	_ =	sdelay $0x3  }
0x2a: {  	s14 =	simm.s32 $0x1  }
0x2b: {  	_ =	swait.ge [sflag:s4], $0x2000;
	s14 =	simm.s32 @!p0 $0x0  }
0x2c: {  	[sflag:s4] =	ssyncset.done $0x0;
	s15 =	sshll.u32 s14, $0xD  }
0x2d: {  	[sflag:s4] =	ssyncadd.s32 $0xFFFFE000;
	s18 =	sor.u32 $0x20, s15  }
0x2e: {  	s14 =	smul.u32 $0x8100, s14;
	v3 =	vld [tilespmem:s18+$0x10]  }
0x2f: {  	s30 =	sand.u32 $0x1, s11;
	v2 =	vld [tilespmem:s18+$0xFFFFFFF0]  }
0x30: {  	s15 =	smul.u32 $0x8100, s30;
	s14 =	sshrl.u32 s14, $0x2;
	v0 =	vld [tilespmem:s18+$0x0]  }
0x31: {  	v1 =	vld [tilespmem:s18+$0xFFFFFFE0];
	s16 =	sor.u32 $0x4000, s14  }
0x32: {  	s31 =	sshrl.u32 s15, $0x2;
	s15 =	sadd.s32 $0x0, s16  }
0x33: {  	s17 =	simm.s32 $0x4;
	s18 =	sadd.s32 $0x40, s18;
	s14 =	sor.u32 $0x4000, s31;
	[tilespmem:s15+$0x1830 ss:$0x81] =	vst.msk $0xffff, v3  }
.LBB1_3:
0x34: {  	v3 =	vld [tilespmem:s18+$0x10];
	p1 =	sne.s32 s17, $0x1FC;
	[tilespmem:s15+$0x810 ss:$0x81] =	vst.msk $0xffff, v2;
	s19 =	smov.u32 s17;
	s17 =	sadd.s32 $0x4, s17  }
.Ltmp3:
0x35: {  	v2 =	vld [tilespmem:s18+$0xFFFFFFF0];
	[tilespmem:s15+$0x1020 ss:$0x81] =	vst.msk $0xffff, v0;
	(pc) =	sbr.rel @p1 .LBB1_3-.Ltmp3, $4  }
0x36: {  	v0 =	vld [tilespmem:s18+$0x0];
	[tilespmem:s15+$0x0 ss:$0x81] =	vst.msk $0xffff, v1  }
0x37: {  	s15 =	sshra.s32 s19, $0x2;
	v1 =	vld [tilespmem:s18+$0xFFFFFFE0]  }
0x38: {  	s15 =	sadd.s32 s15, s16  }
0x39: {  	s18 =	sadd.s32 $0x40, s18;
	[tilespmem:s15+$0x1830 ss:$0x81] =	vst.msk $0xffff, v3  }
.Ltmp4:
0x3a: {  	_ = 	snop;
	(pc) =	sbr.rel .LBB1_4-.Ltmp4, $1  }
0x3b: {  	_ =	sdelay $0x3  }
.LBB1_6:
0x3c: {  	_ =	sfence.sel $0x180000  }
0x3d: {  	s2 =	simm.s32 $0x1;
	[bflag:$0x0] =	sbarrier.arrive $0xFFFF  }
0x3e: {  	s31 =	simm.s32 $0x2;
	[sflag:s2] =	ssyncpa.u1 $0x1  }
0x3f: {  	[sflag:s31] =	ssyncpa.u1 $0x1  }
0x40: {  	p0 =	sne.s32 s0, $0x0;
	_ =	strace $0x9000004A  }
0x41: {  	s0 =	sadd.s32 @!p0 $0x100000, s1;
	[bflag:$0x2] =	sbarrier.arrive $0xFFFF  }
0x42: {  	[sflag:s0] =	ssyncadd.tile.s32 @!p0 $0x1;
	_ =	shalt  }
.Lfunc_end1:
_tile_overlayer_lowered:
.L_overlay_start_2:
0x43: {  	(tag) =	ssettag $0x2  }
0x44: {  	s0 =	rddreg [dreg:$0x0];
	s2 =	stileid.u32  }
0x45: {  	s1 =	rddreg [dreg:$0x1];
	p0 =	sne.s32 s2, $0x0  }
0x46: {  	s3 =	rddreg [dreg:$0x2];
	[bflag:$0x3] =	sbarrier.arrive $0xFFFF;
	s2 =	simm.s32 @!p0 $0x1C01  }
0x47: {  	[timem:s3], [sflag:s2] =	dma.local @!p0 [hbm:s0], s1  }
0x48: {  	s0 =	simm.s32 @!p0 $0x1  }
0x49: {  	_ =	swait.ge @!p0 [sflag:s0], s1  }
0x4a: {  	s1 =	ssub.s32 @!p0 $0x0, s1;
	[sflag:s0] =	ssyncset.done @!p0 $0x0  }
0x4b: {  	[sflag:s0] =	ssyncadd.s32 @!p0 s1  }
0x4c: {  	[bflag:$0x3] =	sbarrier.arrive $0xFFFF  }
0x4d: {  	_ =	shalt  }

</sc_bundles>
